<compile_context>
chip_gen: v7x
topology: tpu7x:2x2x1
jax: 0.10.2.dev20260603
libtpu: 0.0.44.dev20260713+nightly
codegen_flags: <defaults>
</compile_context>

<pallas_src>
import jax
import jax.numpy as jnp
from jax import lax
from jax.experimental import pallas as pl
from jax.experimental.pallas import tpu as pltpu
from jax.experimental.pallas import tpu_sc as plsc

B = 8
P = 4096
S = 64
NC = 2
NS = 16
NW = NC * NS
PW = (B * P) // NW
CH = 128
NCH = PW // CH
TPC = CH // 16
OPIX = S * 128


def _sc_body(corr_hbm, gt_hbm, ref_hbm, ws_hbm, wc_hbm,
             gtx_v, gty_v, ref_v,
             e0_v, e1_v, e2_v, e3_v,
             q0_v, q1_v, q2_v, q3_v,
             cb0_v, cb1_v, cb2_v, cb3_v,
             os0_v, os1_v, os2_v, oc0_v, oc1_v, oc2_v,
             sem0, sem1, sem2, sem3):
    wid = lax.axis_index("s") * NC + lax.axis_index("c")
    b = wid // 4
    base = (wid % 4) * PW

    i0 = (wid % 4) * 16
    d_gtx = pltpu.async_copy(gt_hbm.at[b, 0, pl.ds(i0, 16)], gtx_v, sem0)
    d_gty = pltpu.async_copy(gt_hbm.at[b, 1, pl.ds(i0, 16)], gty_v, sem1)
    d_r0 = pltpu.async_copy(ref_hbm.at[b, 0], ref_v.at[pl.ds(0, S)], sem2)
    d_r1 = pltpu.async_copy(ref_hbm.at[b, 1], ref_v.at[pl.ds(S, S)], sem3)
    d_r2 = pltpu.async_copy(ref_hbm.at[b, 2], ref_v.at[pl.ds(2 * S, S)], sem2)
    d_gtx.wait()
    d_gty.wait()
    d_r0.wait()
    d_r1.wait()
    d_r2.wait()

    lanes = lax.iota(jnp.int32, 16)
    rbase0 = b * P + base
    eb_lanes = ((lanes >> 3) << 15) + ((lanes & 7) << 7)

    def phase_a(ch, carry):
        @plsc.parallel_loop(0, TPC)
        def a_iter(tt):
            off = ch * CH + tt * 16
            sl = pl.ds(off, 16)
            ir = ch * 2 + (tt >> 2)
            jsl = pl.ds((tt & 3) * 16, 16)
            gx = (gtx_v[ir, jsl] + 1.0) * 63.0 / 2.0
            gy = (gty_v[ir, jsl] + 1.0) * 63.0 / 2.0
            fx = gx.astype(jnp.int32)
            fy = gy.astype(jnp.int32)
            fxf = fx.astype(jnp.float32)
            fyf = fy.astype(jnp.float32)

            cx1 = jnp.minimum(fx + 1, S - 1)
            cy1 = jnp.minimum(fy + 1, S - 1)
            dx = cx1 - fx
            dy = cy1 - fy

            ebase = ((rbase0 + off) >> 3) * 32768 + eb_lanes + fx
            e0 = ebase + ((fy >> 1) << 10) + ((fy & 1) << 6)
            e2 = ebase + ((cy1 >> 1) << 10) + ((cy1 & 1) << 6)
            e0_v[sl] = e0
            e1_v[sl] = e0 + dx
            e2_v[sl] = e2
            e3_v[sl] = e2 + dx
            q0_v[sl] = fy
            q1_v[sl] = fx
            q2_v[sl] = cy1
            q3_v[sl] = cx1

            wx0 = (fxf + 1.0) - gx
            wx1 = gx - fxf
            wy0 = (fyf + 1.0) - gy
            wy1 = gy - fyf
            mx = dx.astype(jnp.float32)
            my = dy.astype(jnp.float32)
            a0 = wy0 * wx0 * (mx * my)
            a1 = wy0 * wx1 * my
            a2 = wy1 * wx0 * mx
            a3 = wy1 * wx1

            fyb = fy + S
            fyc = fy + 2 * S
            cyb = cy1 + S
            cyc = cy1 + 2 * S
            r0c0 = plsc.load_gather(ref_v, [fy, fx])
            r0c1 = plsc.load_gather(ref_v, [fyb, fx])
            r0c2 = plsc.load_gather(ref_v, [fyc, fx])
            r1c0 = plsc.load_gather(ref_v, [fy, cx1])
            r1c1 = plsc.load_gather(ref_v, [fyb, cx1])
            r1c2 = plsc.load_gather(ref_v, [fyc, cx1])
            r2c0 = plsc.load_gather(ref_v, [cy1, fx])
            r2c1 = plsc.load_gather(ref_v, [cyb, fx])
            r2c2 = plsc.load_gather(ref_v, [cyc, fx])
            r3c0 = plsc.load_gather(ref_v, [cy1, cx1])
            r3c1 = plsc.load_gather(ref_v, [cyb, cx1])
            r3c2 = plsc.load_gather(ref_v, [cyc, cx1])

            osl = pl.ds((off >> 6) * 128 + (off & 63), 16)
            os0_v[osl] = a0 * r0c0 + a1 * r1c0 + a2 * r2c0 + a3 * r3c0
            os1_v[osl] = a0 * r0c1 + a1 * r1c1 + a2 * r2c1 + a3 * r3c1
            os2_v[osl] = a0 * r0c2 + a1 * r1c2 + a2 * r2c2 + a3 * r3c2

        csl = pl.ds(ch * CH, CH)
        pltpu.async_copy(corr_hbm.at[e0_v.at[csl]], cb0_v.at[csl], sem0)
        pltpu.async_copy(corr_hbm.at[e1_v.at[csl]], cb1_v.at[csl], sem1)
        pltpu.async_copy(corr_hbm.at[e2_v.at[csl]], cb2_v.at[csl], sem2)
        pltpu.async_copy(corr_hbm.at[e3_v.at[csl]], cb3_v.at[csl], sem3)
        return carry

    lax.fori_loop(0, NCH, phase_a, 0)

    def phase_b(ch, carry):
        csl = pl.ds(ch * CH, CH)
        pltpu.make_async_copy(corr_hbm.at[e0_v.at[csl]], cb0_v.at[csl], sem0).wait()
        pltpu.make_async_copy(corr_hbm.at[e1_v.at[csl]], cb1_v.at[csl], sem1).wait()
        pltpu.make_async_copy(corr_hbm.at[e2_v.at[csl]], cb2_v.at[csl], sem2).wait()
        pltpu.make_async_copy(corr_hbm.at[e3_v.at[csl]], cb3_v.at[csl], sem3).wait()
        return carry

    lax.fori_loop(0, NCH, phase_b, 0)

    @plsc.parallel_loop(0, PW // 16)
    def phase_c(t):
        sl = pl.ds(t * 16, 16)
        fy = q0_v[sl]
        fx = q1_v[sl]
        cy1 = q2_v[sl]
        cx1 = q3_v[sl]
        mx = (cx1 - fx).astype(jnp.float32)
        my = (cy1 - fy).astype(jnp.float32)

        c00 = cb0_v[sl] * (mx * my)
        c01 = cb1_v[sl] * my
        c10 = cb2_v[sl] * mx
        c11 = cb3_v[sl]

        fyb = fy + S
        fyc = fy + 2 * S
        cyb = cy1 + S
        cyc = cy1 + 2 * S
        r0c0 = plsc.load_gather(ref_v, [fy, fx])
        r0c1 = plsc.load_gather(ref_v, [fyb, fx])
        r0c2 = plsc.load_gather(ref_v, [fyc, fx])
        r1c0 = plsc.load_gather(ref_v, [fy, cx1])
        r1c1 = plsc.load_gather(ref_v, [fyb, cx1])
        r1c2 = plsc.load_gather(ref_v, [fyc, cx1])
        r2c0 = plsc.load_gather(ref_v, [cy1, fx])
        r2c1 = plsc.load_gather(ref_v, [cyb, fx])
        r2c2 = plsc.load_gather(ref_v, [cyc, fx])
        r3c0 = plsc.load_gather(ref_v, [cy1, cx1])
        r3c1 = plsc.load_gather(ref_v, [cyb, cx1])
        r3c2 = plsc.load_gather(ref_v, [cyc, cx1])

        osl = pl.ds((t >> 2) * 128 + ((t & 3) << 4), 16)
        oc0_v[osl] = c00 * r0c0 + c01 * r1c0 + c10 * r2c0 + c11 * r3c0
        oc1_v[osl] = c00 * r0c1 + c01 * r1c1 + c10 * r2c1 + c11 * r3c1
        oc2_v[osl] = c00 * r0c2 + c01 * r1c2 + c10 * r2c2 + c11 * r3c2

    obase = (wid % 4) * 2048
    w0 = pltpu.async_copy(os0_v, ws_hbm.at[pl.ds((b * 3 + 0) * OPIX + obase, 2048)], sem0)
    w1 = pltpu.async_copy(os1_v, ws_hbm.at[pl.ds((b * 3 + 1) * OPIX + obase, 2048)], sem1)
    w2 = pltpu.async_copy(os2_v, ws_hbm.at[pl.ds((b * 3 + 2) * OPIX + obase, 2048)], sem2)
    w3 = pltpu.async_copy(oc0_v, wc_hbm.at[pl.ds((b * 3 + 0) * OPIX + obase, 2048)], sem3)
    w4 = pltpu.async_copy(oc1_v, wc_hbm.at[pl.ds((b * 3 + 1) * OPIX + obase, 2048)], sem0)
    w5 = pltpu.async_copy(oc2_v, wc_hbm.at[pl.ds((b * 3 + 2) * OPIX + obase, 2048)], sem1)
    w0.wait()
    w1.wait()
    w2.wait()
    w3.wait()
    w4.wait()
    w5.wait()


def _build_sc_call():
    mesh = plsc.VectorSubcoreMesh(core_axis_name="c", subcore_axis_name="s",
                                  num_cores=NC, num_subcores=NS)
    out = jax.ShapeDtypeStruct((B * 3 * OPIX,), jnp.float32)
    return pl.kernel(
        _sc_body,
        out_type=(out, out),
        mesh=mesh,
        scratch_types=[
            pltpu.VMEM((16, S), jnp.float32),
            pltpu.VMEM((16, S), jnp.float32),
            pltpu.VMEM((3 * S, S), jnp.float32),
            pltpu.VMEM((PW,), jnp.int32),
            pltpu.VMEM((PW,), jnp.int32),
            pltpu.VMEM((PW,), jnp.int32),
            pltpu.VMEM((PW,), jnp.int32),
            pltpu.VMEM((PW,), jnp.int32),
            pltpu.VMEM((PW,), jnp.int32),
            pltpu.VMEM((PW,), jnp.int32),
            pltpu.VMEM((PW,), jnp.int32),
            pltpu.VMEM((PW,), jnp.float32),
            pltpu.VMEM((PW,), jnp.float32),
            pltpu.VMEM((PW,), jnp.float32),
            pltpu.VMEM((PW,), jnp.float32),
            pltpu.VMEM((2048,), jnp.float32),
            pltpu.VMEM((2048,), jnp.float32),
            pltpu.VMEM((2048,), jnp.float32),
            pltpu.VMEM((2048,), jnp.float32),
            pltpu.VMEM((2048,), jnp.float32),
            pltpu.VMEM((2048,), jnp.float32),
            pltpu.SemaphoreType.DMA,
            pltpu.SemaphoreType.DMA,
            pltpu.SemaphoreType.DMA,
            pltpu.SemaphoreType.DMA,
        ],
        compiler_params=pltpu.CompilerParams(needs_layout_passes=False),
    )


def kernel(corr_m, gt_flow, vis_mask, scale_ref):
    del vis_mask
    corr_flat = (corr_m.reshape(B * P // 8, 8, P // 128, 128)
                 .transpose(0, 2, 1, 3)
                 .reshape(B * P * P))

    ws_p, wc_p = _build_sc_call()(corr_flat, gt_flow, scale_ref)
    warp_smpl = ws_p.reshape(B, 3, S, 128)[..., :S]
    warp_corr = wc_p.reshape(B, 3, S, 128)[..., :S]
    return (warp_smpl, warp_corr)

# --- scband reference (transcript-rebuilt; emitter-appended) ---
"""Pipeline reference for scband-smplloss-pixel-64072322121837 (READ-ONLY COPY).

The authoritative reference and input builder live on the scoring server;
editing this copy changes nothing except your own understanding.
"""

import jax, jax.numpy as jnp
import numpy as np


def setup_inputs(seed: int = 0) -> dict:
    key = jax.random.key(seed)
    k1, k2, k3 = jax.random.split(key, 3)
    B = 8
    scale = 64
    h = 64
    w = 64
    corr_m = jax.random.uniform(k1, (B, scale * scale, scale * scale), dtype=jnp.float32)
    gt_flow = jax.random.uniform(k2, (B, 2, h, w), dtype=jnp.float32)
    vis_mask = jnp.ones((B, 1, h, w), dtype=jnp.float32)
    scale_ref = jax.random.normal(k3, (B, 3, scale, scale), dtype=jnp.float32)
    return {"corr_m": corr_m, "gt_flow": gt_flow, "vis_mask": vis_mask, "scale_ref": scale_ref}


def reference(corr_m, gt_flow, vis_mask, scale_ref):
    B, c, h, w = gt_flow.shape
    scale = 64
    gt_grid = jnp.concatenate([(gt_flow[:, i:i + 1, :, :] + 1.0) * (size - 1.0) / 2 for i, size in enumerate([w, h])], axis=1)
    floor_grid = jnp.floor(gt_grid)
    offset_x = [0, 0, 1, 1]
    offset_y = [0, 1, 0, 1]
    corr_view = jnp.transpose(corr_m, (0, 2, 1)).reshape(B, scale * scale, scale, scale)
    idxs = []
    filtered_corrs = []
    for i in range(4):
        x = jnp.clip(floor_grid[:, 1:2, :, :] + offset_x[i], 0, h - 1)
        y = jnp.clip(floor_grid[:, 0:1, :, :] + offset_y[i], 0, w - 1)
        idx = (x * w + y).astype(jnp.int32)
        idxs.append(idx)
        filtered_corrs.append(jnp.take_along_axis(corr_view, idx, axis=1))
    filterd_corr_out = jnp.concatenate(filtered_corrs, axis=1)
    bi = jnp.arange(B).reshape(B, 1, 1, 1)
    ii = jnp.arange(h).reshape(1, 1, h, 1)
    jj = jnp.arange(w).reshape(1, 1, 1, w)

    def scat(arr, idx, src):
        # scatter-overwrite along channel dim, mirroring torch scatter_(dim=1, ...)
        return arr.at[bi, idx, ii, jj].set(src)

    filtered_corr_m = jnp.zeros((B, scale * scale, h, w), dtype=corr_m.dtype)
    for i in range(4):
        filtered_corr_m = scat(filtered_corr_m, idxs[i], filterd_corr_out[:, i:i + 1, :, :])
    filtered_corr_m = jnp.transpose(filtered_corr_m.reshape(B, scale * scale, scale * scale), (0, 2, 1))

    fg1 = floor_grid[:, 1:2, :, :]
    fg0 = floor_grid[:, 0:1, :, :]
    gg1 = gt_grid[:, 1:2, :, :]
    gg0 = gt_grid[:, 0:1, :, :]
    srcs = [
        (fg1 + 1 - gg1) * (fg0 + 1 - gg0),
        (fg1 + 1 - gg1) * (gg0 - fg0),
        (gg1 - fg1) * (fg0 + 1 - gg0),
        (gg1 - fg1) * (gg0 - fg0),
    ]
    filtered_gts = jnp.zeros((B, scale * scale, h, w), dtype=corr_m.dtype)
    for i in range(4):
        filtered_gts = scat(filtered_gts, idxs[i], srcs[i])
    filtered_gt_corrs = jnp.transpose(filtered_gts.reshape(B, scale * scale, scale * scale), (0, 2, 1))

    ref = jnp.transpose(scale_ref.reshape(B, 3, scale * scale), (0, 2, 1))
    warp_smpl = jnp.transpose(jnp.matmul(filtered_gt_corrs, ref), (0, 2, 1)).reshape(B, 3, scale, scale)
    warp_corr = jnp.transpose(jnp.matmul(filtered_corr_m, ref), (0, 2, 1)).reshape(B, 3, scale, scale)
    return (warp_smpl, warp_corr)

if __name__ == "__main__":
    import jax
    _d = setup_inputs()
    print(jax.jit(kernel)(*tuple(_d.values())))

</pallas_src>

<mosaic_0001>
#map = affine_map<(d0, d1) -> (0)>
#map1 = affine_map<(d0, d1) -> (0, 0, 0, 0)>
module attributes {stable_mosaic.version = 14 : i64} {
  func.func @_sc_body(%arg0: i32, %arg1: i32, %arg2: memref<134217728xf32, #tpu.memory_space<hbm>>, %arg3: memref<8x2x64x64xf32, #tpu.memory_space<hbm>>, %arg4: memref<8x3x64x64xf32, #tpu.memory_space<hbm>>, %arg5: memref<196608xf32, #tpu.memory_space<hbm>>, %arg6: memref<196608xf32, #tpu.memory_space<hbm>>, %arg7: memref<16x64xf32, #tpu.memory_space<vmem>>, %arg8: memref<16x64xf32, #tpu.memory_space<vmem>>, %arg9: memref<192x64xf32, #tpu.memory_space<vmem>>, %arg10: memref<1024xi32, #tpu.memory_space<vmem>>, %arg11: memref<1024xi32, #tpu.memory_space<vmem>>, %arg12: memref<1024xi32, #tpu.memory_space<vmem>>, %arg13: memref<1024xi32, #tpu.memory_space<vmem>>, %arg14: memref<1024xi32, #tpu.memory_space<vmem>>, %arg15: memref<1024xi32, #tpu.memory_space<vmem>>, %arg16: memref<1024xi32, #tpu.memory_space<vmem>>, %arg17: memref<1024xi32, #tpu.memory_space<vmem>>, %arg18: memref<1024xf32, #tpu.memory_space<vmem>>, %arg19: memref<1024xf32, #tpu.memory_space<vmem>>, %arg20: memref<1024xf32, #tpu.memory_space<vmem>>, %arg21: memref<1024xf32, #tpu.memory_space<vmem>>, %arg22: memref<2048xf32, #tpu.memory_space<vmem>>, %arg23: memref<2048xf32, #tpu.memory_space<vmem>>, %arg24: memref<2048xf32, #tpu.memory_space<vmem>>, %arg25: memref<2048xf32, #tpu.memory_space<vmem>>, %arg26: memref<2048xf32, #tpu.memory_space<vmem>>, %arg27: memref<2048xf32, #tpu.memory_space<vmem>>, %arg28: memref<!tpu.dma_semaphore, #tpu.memory_space<semaphore_mem>>, %arg29: memref<!tpu.dma_semaphore, #tpu.memory_space<semaphore_mem>>, %arg30: memref<!tpu.dma_semaphore, #tpu.memory_space<semaphore_mem>>, %arg31: memref<!tpu.dma_semaphore, #tpu.memory_space<semaphore_mem>>) attributes {dimension_semantics = [#tpu.dimension_semantics<core_parallel>, #tpu.dimension_semantics<subcore_parallel>], iteration_bounds = array<i64: 2, 16>, scalar_prefetch = 0 : i64, scratch_operands = 25 : i64, tpu.core_type = #tpu.core_type<sc_vector_subcore>, window_params = [{transform_indices = #map}, {transform_indices = #map1}, {transform_indices = #map1}, {transform_indices = #map}, {transform_indices = #map}]} {
    %mul3A = arith.constant 2 : i32
    %mul3A_0 = arith.muli %arg1, %mul3A : i32
    %add3A = arith.addi %mul3A_0, %arg0 : i32
    %jit3A = arith.constant 4 : i32
    %div3A = arith.divsi %add3A, %jit3A : i32
    %sign3A = arith.constant 0 : i32
    %sign3A_1 = arith.cmpi sgt, %add3A, %sign3A : i32
    %sign3A_2 = arith.extui %sign3A_1 : i1 to i32
    %sign3A_3 = arith.constant 0 : i32
    %sign3A_4 = arith.cmpi slt, %add3A, %sign3A_3 : i32
    %sign3A_5 = arith.extui %sign3A_4 : i1 to i32
    %sign3A_6 = arith.subi %sign3A_2, %sign3A_5 : i32
    %sign3A_7 = arith.constant 0 : i32
    %sign3A_8 = arith.cmpi sgt, %jit3A, %sign3A_7 : i32
    %sign3A_9 = arith.extui %sign3A_8 : i1 to i32
    %sign3A_10 = arith.constant 0 : i32
    %sign3A_11 = arith.cmpi slt, %jit3A, %sign3A_10 : i32
    %sign3A_12 = arith.extui %sign3A_11 : i1 to i32
    %sign3A_13 = arith.subi %sign3A_9, %sign3A_12 : i32
    %ne3A = arith.cmpi ne, %sign3A_6, %sign3A_13 : i32
    %rem3A = arith.remsi %add3A, %jit3A : i32
    %ne3A_14 = arith.constant 0 : i32
    %ne3A_15 = arith.cmpi ne, %rem3A, %ne3A_14 : i32
    %and3A = arith.andi %ne3A, %ne3A_15 : i1
    %sub3A = arith.constant 1 : i32
    %sub3A_16 = arith.subi %div3A, %sub3A : i32
    %select_n3A = arith.select %and3A, %sub3A_16, %div3A : i32
    %jit3A_17 = arith.constant 4 : i32
    %eq3A = arith.constant 0 : i32
    %eq3A_18 = arith.cmpi eq, %jit3A_17, %eq3A : i32
    %jit3A_19 = arith.constant 1 : i32
    %select_n3A_20 = arith.select %eq3A_18, %jit3A_19, %jit3A_17 : i32
    %rem3A_21 = arith.remsi %add3A, %select_n3A_20 : i32
    %ne3A_22 = arith.constant 0 : i32
    %ne3A_23 = arith.cmpi ne, %rem3A_21, %ne3A_22 : i32
    %lt3A = arith.constant 0 : i32
    %lt3A_24 = arith.cmpi slt, %rem3A_21, %lt3A : i32
    %lt3A_25 = arith.constant 0 : i32
    %lt3A_26 = arith.cmpi slt, %select_n3A_20, %lt3A_25 : i32
    %ne3A_27 = arith.xori %lt3A_24, %lt3A_26 : i1
    %and3A_28 = arith.andi %ne3A_27, %ne3A_23 : i1
    %add3A_29 = arith.addi %rem3A_21, %select_n3A_20 : i32
    %select_n3A_30 = arith.select %and3A_28, %add3A_29, %rem3A_21 : i32
    %mul3A_31 = arith.constant 1024 : i32
    %mul3A_32 = arith.muli %select_n3A_30, %mul3A_31 : i32
    %jit3A_33 = arith.constant 4 : i32
    %eq3A_34 = arith.constant 0 : i32
    %eq3A_35 = arith.cmpi eq, %jit3A_33, %eq3A_34 : i32
    %jit3A_36 = arith.constant 1 : i32
    %select_n3A_37 = arith.select %eq3A_35, %jit3A_36, %jit3A_33 : i32
    %rem3A_38 = arith.remsi %add3A, %select_n3A_37 : i32
    %ne3A_39 = arith.constant 0 : i32
    %ne3A_40 = arith.cmpi ne, %rem3A_38, %ne3A_39 : i32
    %lt3A_41 = arith.constant 0 : i32
    %lt3A_42 = arith.cmpi slt, %rem3A_38, %lt3A_41 : i32
    %lt3A_43 = arith.constant 0 : i32
    %lt3A_44 = arith.cmpi slt, %select_n3A_37, %lt3A_43 : i32
    %ne3A_45 = arith.xori %lt3A_42, %lt3A_44 : i1
    %and3A_46 = arith.andi %ne3A_45, %ne3A_40 : i1
    %add3A_47 = arith.addi %rem3A_38, %select_n3A_37 : i32
    %select_n3A_48 = arith.select %and3A_46, %add3A_47, %rem3A_38 : i32
    %mul3A_49 = arith.constant 16 : i32
    %mul3A_50 = arith.muli %select_n3A_48, %mul3A_49 : i32
    %dma_start3A = arith.constant 0 : i32
    %dma_start3A_51 = arith.constant 0 : i32
    %dma_start3A_52 = tpu.memref_slice %arg3[%select_n3A, %dma_start3A, %mul3A_50, %dma_start3A_51] : memref<8x2x64x64xf32, #tpu.memory_space<hbm>> -> memref<1x1x16x64xf32, #tpu.memory_space<hbm>>
    %dma_start3A_53 = tpu.memref_squeeze %dma_start3A_52 : memref<1x1x16x64xf32, #tpu.memory_space<hbm>> -> memref<16x64xf32, #tpu.memory_space<hbm>>
    %dma_start3A_54 = arith.constant 0 : i32
    %dma_start3A_55 = tpu.memref_slice %arg3[%select_n3A, %dma_start3A, %mul3A_50, %dma_start3A_54] : memref<8x2x64x64xf32, #tpu.memory_space<hbm>> -> memref<1x1x16x64xf32, #tpu.memory_space<hbm>>
    %dma_start3A_56 = tpu.memref_squeeze %dma_start3A_55 : memref<1x1x16x64xf32, #tpu.memory_space<hbm>> -> memref<16x64xf32, #tpu.memory_space<hbm>>
    tpu.enqueue_dma source(%dma_start3A_56 : memref<16x64xf32, #tpu.memory_space<hbm>>) target(%arg7 : memref<16x64xf32, #tpu.memory_space<vmem>>) target_semaphore(%arg28 : memref<!tpu.dma_semaphore, #tpu.memory_space<semaphore_mem>>)
    %dma_start3A_57 = arith.constant 1 : i32
    %dma_start3A_58 = arith.constant 0 : i32
    %dma_start3A_59 = tpu.memref_slice %arg3[%select_n3A, %dma_start3A_57, %mul3A_50, %dma_start3A_58] : memref<8x2x64x64xf32, #tpu.memory_space<hbm>> -> memref<1x1x16x64xf32, #tpu.memory_space<hbm>>
    %dma_start3A_60 = tpu.memref_squeeze %dma_start3A_59 : memref<1x1x16x64xf32, #tpu.memory_space<hbm>> -> memref<16x64xf32, #tpu.memory_space<hbm>>
    %dma_start3A_61 = arith.constant 0 : i32
    %dma_start3A_62 = tpu.memref_slice %arg3[%select_n3A, %dma_start3A_57, %mul3A_50, %dma_start3A_61] : memref<8x2x64x64xf32, #tpu.memory_space<hbm>> -> memref<1x1x16x64xf32, #tpu.memory_space<hbm>>
    %dma_start3A_63 = tpu.memref_squeeze %dma_start3A_62 : memref<1x1x16x64xf32, #tpu.memory_space<hbm>> -> memref<16x64xf32, #tpu.memory_space<hbm>>
    tpu.enqueue_dma source(%dma_start3A_63 : memref<16x64xf32, #tpu.memory_space<hbm>>) target(%arg8 : memref<16x64xf32, #tpu.memory_space<vmem>>) target_semaphore(%arg29 : memref<!tpu.dma_semaphore, #tpu.memory_space<semaphore_mem>>)
    %dma_start3A_64 = arith.constant 0 : i32
    %dma_start3A_65 = arith.constant 0 : i32
    %dma_start3A_66 = arith.constant 0 : i32
    %dma_start3A_67 = tpu.memref_slice %arg9[%dma_start3A_65, %dma_start3A_66] : memref<192x64xf32, #tpu.memory_space<vmem>> -> memref<64x64xf32, #tpu.memory_space<vmem>>
    %dma_start3A_68 = arith.constant 0 : i32
    %dma_start3A_69 = arith.constant 0 : i32
    %dma_start3A_70 = tpu.memref_slice %arg4[%select_n3A, %dma_start3A_64, %dma_start3A_68, %dma_start3A_69] : memref<8x3x64x64xf32, #tpu.memory_space<hbm>> -> memref<1x1x64x64xf32, #tpu.memory_space<hbm>>
    %dma_start3A_71 = tpu.memref_squeeze %dma_start3A_70 : memref<1x1x64x64xf32, #tpu.memory_space<hbm>> -> memref<64x64xf32, #tpu.memory_space<hbm>>
    %dma_start3A_72 = arith.constant 0 : i32
    %dma_start3A_73 = arith.constant 0 : i32
    %dma_start3A_74 = tpu.memref_slice %arg9[%dma_start3A_72, %dma_start3A_73] : memref<192x64xf32, #tpu.memory_space<vmem>> -> memref<64x64xf32, #tpu.memory_space<vmem>>
    %dma_start3A_75 = arith.constant 0 : i32
    %dma_start3A_76 = arith.constant 0 : i32
    %dma_start3A_77 = tpu.memref_slice %arg4[%select_n3A, %dma_start3A_64, %dma_start3A_75, %dma_start3A_76] : memref<8x3x64x64xf32, #tpu.memory_space<hbm>> -> memref<1x1x64x64xf32, #tpu.memory_space<hbm>>
    %dma_start3A_78 = tpu.memref_squeeze %dma_start3A_77 : memref<1x1x64x64xf32, #tpu.memory_space<hbm>> -> memref<64x64xf32, #tpu.memory_space<hbm>>
    tpu.enqueue_dma source(%dma_start3A_78 : memref<64x64xf32, #tpu.memory_space<hbm>>) target(%dma_start3A_74 : memref<64x64xf32, #tpu.memory_space<vmem>>) target_semaphore(%arg30 : memref<!tpu.dma_semaphore, #tpu.memory_space<semaphore_mem>>)
    %dma_start3A_79 = arith.constant 1 : i32
    %dma_start3A_80 = arith.constant 64 : i32
    %dma_start3A_81 = arith.constant 0 : i32
    %dma_start3A_82 = tpu.memref_slice %arg9[%dma_start3A_80, %dma_start3A_81] : memref<192x64xf32, #tpu.memory_space<vmem>> -> memref<64x64xf32, #tpu.memory_space<vmem>>
    %dma_start3A_83 = arith.constant 0 : i32
    %dma_start3A_84 = arith.constant 0 : i32
    %dma_start3A_85 = tpu.memref_slice %arg4[%select_n3A, %dma_start3A_79, %dma_start3A_83, %dma_start3A_84] : memref<8x3x64x64xf32, #tpu.memory_space<hbm>> -> memref<1x1x64x64xf32, #tpu.memory_space<hbm>>
    %dma_start3A_86 = tpu.memref_squeeze %dma_start3A_85 : memref<1x1x64x64xf32, #tpu.memory_space<hbm>> -> memref<64x64xf32, #tpu.memory_space<hbm>>
    %dma_start3A_87 = arith.constant 64 : i32
    %dma_start3A_88 = arith.constant 0 : i32
    %dma_start3A_89 = tpu.memref_slice %arg9[%dma_start3A_87, %dma_start3A_88] : memref<192x64xf32, #tpu.memory_space<vmem>> -> memref<64x64xf32, #tpu.memory_space<vmem>>
    %dma_start3A_90 = arith.constant 0 : i32
    %dma_start3A_91 = arith.constant 0 : i32
    %dma_start3A_92 = tpu.memref_slice %arg4[%select_n3A, %dma_start3A_79, %dma_start3A_90, %dma_start3A_91] : memref<8x3x64x64xf32, #tpu.memory_space<hbm>> -> memref<1x1x64x64xf32, #tpu.memory_space<hbm>>
    %dma_start3A_93 = tpu.memref_squeeze %dma_start3A_92 : memref<1x1x64x64xf32, #tpu.memory_space<hbm>> -> memref<64x64xf32, #tpu.memory_space<hbm>>
    tpu.enqueue_dma source(%dma_start3A_93 : memref<64x64xf32, #tpu.memory_space<hbm>>) target(%dma_start3A_89 : memref<64x64xf32, #tpu.memory_space<vmem>>) target_semaphore(%arg31 : memref<!tpu.dma_semaphore, #tpu.memory_space<semaphore_mem>>)
    %dma_start3A_94 = arith.constant 2 : i32
    %dma_start3A_95 = arith.constant 128 : i32
    %dma_start3A_96 = arith.constant 0 : i32
    %dma_start3A_97 = tpu.memref_slice %arg9[%dma_start3A_95, %dma_start3A_96] : memref<192x64xf32, #tpu.memory_space<vmem>> -> memref<64x64xf32, #tpu.memory_space<vmem>>
    %dma_start3A_98 = arith.constant 0 : i32
    %dma_start3A_99 = arith.constant 0 : i32
    %dma_start3A_100 = tpu.memref_slice %arg4[%select_n3A, %dma_start3A_94, %dma_start3A_98, %dma_start3A_99] : memref<8x3x64x64xf32, #tpu.memory_space<hbm>> -> memref<1x1x64x64xf32, #tpu.memory_space<hbm>>
    %dma_start3A_101 = tpu.memref_squeeze %dma_start3A_100 : memref<1x1x64x64xf32, #tpu.memory_space<hbm>> -> memref<64x64xf32, #tpu.memory_space<hbm>>
    %dma_start3A_102 = arith.constant 128 : i32
    %dma_start3A_103 = arith.constant 0 : i32
    %dma_start3A_104 = tpu.memref_slice %arg9[%dma_start3A_102, %dma_start3A_103] : memref<192x64xf32, #tpu.memory_space<vmem>> -> memref<64x64xf32, #tpu.memory_space<vmem>>
    %dma_start3A_105 = arith.constant 0 : i32
    %dma_start3A_106 = arith.constant 0 : i32
    %dma_start3A_107 = tpu.memref_slice %arg4[%select_n3A, %dma_start3A_94, %dma_start3A_105, %dma_start3A_106] : memref<8x3x64x64xf32, #tpu.memory_space<hbm>> -> memref<1x1x64x64xf32, #tpu.memory_space<hbm>>
    %dma_start3A_108 = tpu.memref_squeeze %dma_start3A_107 : memref<1x1x64x64xf32, #tpu.memory_space<hbm>> -> memref<64x64xf32, #tpu.memory_space<hbm>>
    tpu.enqueue_dma source(%dma_start3A_108 : memref<64x64xf32, #tpu.memory_space<hbm>>) target(%dma_start3A_104 : memref<64x64xf32, #tpu.memory_space<vmem>>) target_semaphore(%arg30 : memref<!tpu.dma_semaphore, #tpu.memory_space<semaphore_mem>>)
    %dma_wait3A = arith.constant 0 : i32
    %dma_wait3A_109 = arith.constant 0 : i32
    %dma_wait3A_110 = tpu.memref_slice %arg3[%select_n3A, %dma_wait3A, %mul3A_50, %dma_wait3A_109] : memref<8x2x64x64xf32, #tpu.memory_space<hbm>> -> memref<1x1x16x64xf32, #tpu.memory_space<hbm>>
    %dma_wait3A_111 = tpu.memref_squeeze %dma_wait3A_110 : memref<1x1x16x64xf32, #tpu.memory_space<hbm>> -> memref<16x64xf32, #tpu.memory_space<hbm>>
    %dma_wait3A_112 = arith.constant 0 : i32
    %dma_wait3A_113 = tpu.memref_slice %arg3[%select_n3A, %dma_wait3A, %mul3A_50, %dma_wait3A_112] : memref<8x2x64x64xf32, #tpu.memory_space<hbm>> -> memref<1x1x16x64xf32, #tpu.memory_space<hbm>>
    %dma_wait3A_114 = tpu.memref_squeeze %dma_wait3A_113 : memref<1x1x16x64xf32, #tpu.memory_space<hbm>> -> memref<16x64xf32, #tpu.memory_space<hbm>>
    tpu.wait_dma2 semaphore(%arg28 : memref<!tpu.dma_semaphore, #tpu.memory_space<semaphore_mem>>) src(%dma_wait3A_114 : memref<16x64xf32, #tpu.memory_space<hbm>>) dst(%arg7 : memref<16x64xf32, #tpu.memory_space<vmem>>)
    %dma_wait3A_115 = arith.constant 1 : i32
    %dma_wait3A_116 = arith.constant 0 : i32
    %dma_wait3A_117 = tpu.memref_slice %arg3[%select_n3A, %dma_wait3A_115, %mul3A_50, %dma_wait3A_116] : memref<8x2x64x64xf32, #tpu.memory_space<hbm>> -> memref<1x1x16x64xf32, #tpu.memory_space<hbm>>
    %dma_wait3A_118 = tpu.memref_squeeze %dma_wait3A_117 : memref<1x1x16x64xf32, #tpu.memory_space<hbm>> -> memref<16x64xf32, #tpu.memory_space<hbm>>
    %dma_wait3A_119 = arith.constant 0 : i32
    %dma_wait3A_120 = tpu.memref_slice %arg3[%select_n3A, %dma_wait3A_115, %mul3A_50, %dma_wait3A_119] : memref<8x2x64x64xf32, #tpu.memory_space<hbm>> -> memref<1x1x16x64xf32, #tpu.memory_space<hbm>>
    %dma_wait3A_121 = tpu.memref_squeeze %dma_wait3A_120 : memref<1x1x16x64xf32, #tpu.memory_space<hbm>> -> memref<16x64xf32, #tpu.memory_space<hbm>>
    tpu.wait_dma2 semaphore(%arg29 : memref<!tpu.dma_semaphore, #tpu.memory_space<semaphore_mem>>) src(%dma_wait3A_121 : memref<16x64xf32, #tpu.memory_space<hbm>>) dst(%arg8 : memref<16x64xf32, #tpu.memory_space<vmem>>)
    %dma_wait3A_122 = arith.constant 0 : i32
    %dma_wait3A_123 = arith.constant 0 : i32
    %dma_wait3A_124 = arith.constant 0 : i32
    %dma_wait3A_125 = tpu.memref_slice %arg9[%dma_wait3A_123, %dma_wait3A_124] : memref<192x64xf32, #tpu.memory_space<vmem>> -> memref<64x64xf32, #tpu.memory_space<vmem>>
    %dma_wait3A_126 = arith.constant 0 : i32
    %dma_wait3A_127 = arith.constant 0 : i32
    %dma_wait3A_128 = tpu.memref_slice %arg4[%select_n3A, %dma_wait3A_122, %dma_wait3A_126, %dma_wait3A_127] : memref<8x3x64x64xf32, #tpu.memory_space<hbm>> -> memref<1x1x64x64xf32, #tpu.memory_space<hbm>>
    %dma_wait3A_129 = tpu.memref_squeeze %dma_wait3A_128 : memref<1x1x64x64xf32, #tpu.memory_space<hbm>> -> memref<64x64xf32, #tpu.memory_space<hbm>>
    %dma_wait3A_130 = arith.constant 0 : i32
    %dma_wait3A_131 = arith.constant 0 : i32
    %dma_wait3A_132 = tpu.memref_slice %arg9[%dma_wait3A_130, %dma_wait3A_131] : memref<192x64xf32, #tpu.memory_space<vmem>> -> memref<64x64xf32, #tpu.memory_space<vmem>>
    %dma_wait3A_133 = arith.constant 0 : i32
    %dma_wait3A_134 = arith.constant 0 : i32
    %dma_wait3A_135 = tpu.memref_slice %arg4[%select_n3A, %dma_wait3A_122, %dma_wait3A_133, %dma_wait3A_134] : memref<8x3x64x64xf32, #tpu.memory_space<hbm>> -> memref<1x1x64x64xf32, #tpu.memory_space<hbm>>
    %dma_wait3A_136 = tpu.memref_squeeze %dma_wait3A_135 : memref<1x1x64x64xf32, #tpu.memory_space<hbm>> -> memref<64x64xf32, #tpu.memory_space<hbm>>
    tpu.wait_dma2 semaphore(%arg30 : memref<!tpu.dma_semaphore, #tpu.memory_space<semaphore_mem>>) src(%dma_wait3A_136 : memref<64x64xf32, #tpu.memory_space<hbm>>) dst(%dma_wait3A_132 : memref<64x64xf32, #tpu.memory_space<vmem>>)
    %dma_wait3A_137 = arith.constant 1 : i32
    %dma_wait3A_138 = arith.constant 64 : i32
    %dma_wait3A_139 = arith.constant 0 : i32
    %dma_wait3A_140 = tpu.memref_slice %arg9[%dma_wait3A_138, %dma_wait3A_139] : memref<192x64xf32, #tpu.memory_space<vmem>> -> memref<64x64xf32, #tpu.memory_space<vmem>>
    %dma_wait3A_141 = arith.constant 0 : i32
    %dma_wait3A_142 = arith.constant 0 : i32
    %dma_wait3A_143 = tpu.memref_slice %arg4[%select_n3A, %dma_wait3A_137, %dma_wait3A_141, %dma_wait3A_142] : memref<8x3x64x64xf32, #tpu.memory_space<hbm>> -> memref<1x1x64x64xf32, #tpu.memory_space<hbm>>
    %dma_wait3A_144 = tpu.memref_squeeze %dma_wait3A_143 : memref<1x1x64x64xf32, #tpu.memory_space<hbm>> -> memref<64x64xf32, #tpu.memory_space<hbm>>
    %dma_wait3A_145 = arith.constant 64 : i32
    %dma_wait3A_146 = arith.constant 0 : i32
    %dma_wait3A_147 = tpu.memref_slice %arg9[%dma_wait3A_145, %dma_wait3A_146] : memref<192x64xf32, #tpu.memory_space<vmem>> -> memref<64x64xf32, #tpu.memory_space<vmem>>
    %dma_wait3A_148 = arith.constant 0 : i32
    %dma_wait3A_149 = arith.constant 0 : i32
    %dma_wait3A_150 = tpu.memref_slice %arg4[%select_n3A, %dma_wait3A_137, %dma_wait3A_148, %dma_wait3A_149] : memref<8x3x64x64xf32, #tpu.memory_space<hbm>> -> memref<1x1x64x64xf32, #tpu.memory_space<hbm>>
    %dma_wait3A_151 = tpu.memref_squeeze %dma_wait3A_150 : memref<1x1x64x64xf32, #tpu.memory_space<hbm>> -> memref<64x64xf32, #tpu.memory_space<hbm>>
    tpu.wait_dma2 semaphore(%arg31 : memref<!tpu.dma_semaphore, #tpu.memory_space<semaphore_mem>>) src(%dma_wait3A_151 : memref<64x64xf32, #tpu.memory_space<hbm>>) dst(%dma_wait3A_147 : memref<64x64xf32, #tpu.memory_space<vmem>>)
    %dma_wait3A_152 = arith.constant 2 : i32
    %dma_wait3A_153 = arith.constant 128 : i32
    %dma_wait3A_154 = arith.constant 0 : i32
    %dma_wait3A_155 = tpu.memref_slice %arg9[%dma_wait3A_153, %dma_wait3A_154] : memref<192x64xf32, #tpu.memory_space<vmem>> -> memref<64x64xf32, #tpu.memory_space<vmem>>
    %dma_wait3A_156 = arith.constant 0 : i32
    %dma_wait3A_157 = arith.constant 0 : i32
    %dma_wait3A_158 = tpu.memref_slice %arg4[%select_n3A, %dma_wait3A_152, %dma_wait3A_156, %dma_wait3A_157] : memref<8x3x64x64xf32, #tpu.memory_space<hbm>> -> memref<1x1x64x64xf32, #tpu.memory_space<hbm>>
    %dma_wait3A_159 = tpu.memref_squeeze %dma_wait3A_158 : memref<1x1x64x64xf32, #tpu.memory_space<hbm>> -> memref<64x64xf32, #tpu.memory_space<hbm>>
    %dma_wait3A_160 = arith.constant 128 : i32
    %dma_wait3A_161 = arith.constant 0 : i32
    %dma_wait3A_162 = tpu.memref_slice %arg9[%dma_wait3A_160, %dma_wait3A_161] : memref<192x64xf32, #tpu.memory_space<vmem>> -> memref<64x64xf32, #tpu.memory_space<vmem>>
    %dma_wait3A_163 = arith.constant 0 : i32
    %dma_wait3A_164 = arith.constant 0 : i32
    %dma_wait3A_165 = tpu.memref_slice %arg4[%select_n3A, %dma_wait3A_152, %dma_wait3A_163, %dma_wait3A_164] : memref<8x3x64x64xf32, #tpu.memory_space<hbm>> -> memref<1x1x64x64xf32, #tpu.memory_space<hbm>>
    %dma_wait3A_166 = tpu.memref_squeeze %dma_wait3A_165 : memref<1x1x64x64xf32, #tpu.memory_space<hbm>> -> memref<64x64xf32, #tpu.memory_space<hbm>>
    tpu.wait_dma2 semaphore(%arg30 : memref<!tpu.dma_semaphore, #tpu.memory_space<semaphore_mem>>) src(%dma_wait3A_166 : memref<64x64xf32, #tpu.memory_space<hbm>>) dst(%dma_wait3A_162 : memref<64x64xf32, #tpu.memory_space<vmem>>)
    %iota3A = tpu.iota {dimensions = array<i32: 0>} : vector<16xi32>
    %mul3A_167 = arith.constant 4096 : i32
    %mul3A_168 = arith.muli %select_n3A, %mul3A_167 : i32
    %add3A_169 = arith.addi %mul3A_168, %mul3A_32 : i32
    %shift_right_arithmetic3A = arith.constant 3 : i32
    %shift_right_arithmetic3A_170 = vector.broadcast %shift_right_arithmetic3A : i32 to vector<16xi32>
    %shift_right_arithmetic3A_171 = arith.shrsi %iota3A, %shift_right_arithmetic3A_170 : vector<16xi32>
    %shift_left3A = arith.constant 15 : i32
    %shift_left3A_172 = vector.broadcast %shift_left3A : i32 to vector<16xi32>
    %shift_left3A_173 = arith.shli %shift_right_arithmetic3A_171, %shift_left3A_172 : vector<16xi32>
    %and3A_174 = arith.constant 7 : i32
    %and3A_175 = vector.broadcast %and3A_174 : i32 to vector<16xi32>
    %and3A_176 = arith.andi %iota3A, %and3A_175 : vector<16xi32>
    %shift_left3A_177 = arith.constant 7 : i32
    %shift_left3A_178 = vector.broadcast %shift_left3A_177 : i32 to vector<16xi32>
    %shift_left3A_179 = arith.shli %and3A_176, %shift_left3A_178 : vector<16xi32>
    %add3A_180 = arith.addi %shift_left3A_173, %shift_left3A_179 : vector<16xi32>
    %scan3A = arith.constant 0 : i32
    %scan3A_181 = arith.constant 0 : i32
    %scan3A_182 = arith.constant 8 : i32
    %scan3A_183 = arith.addi %scan3A_181, %scan3A_182 : i32
    %scan3A_184 = arith.constant 1 : i32
    scf.for %scan3A_278 = %scan3A_181 to %scan3A_183 step %scan3A_184  : i32 {
      %parallel_loop3A_279 = arith.constant 0 : i32
      %parallel_loop3A_280 = arith.constant 8 : i32
      %parallel_loop3A_281 = arith.constant 1 : i32
      scf.for %parallel_loop3A_300 = %parallel_loop3A_279 to %parallel_loop3A_280 step %parallel_loop3A_281  : i32 {
        %parallel_loop3A_301 = arith.constant 128 : i32
        %parallel_loop3A_302 = arith.muli %scan3A_278, %parallel_loop3A_301 : i32
        %parallel_loop3A_303 = arith.constant 16 : i32
        %parallel_loop3A_304 = arith.muli %parallel_loop3A_300, %parallel_loop3A_303 : i32
        %parallel_loop3A_305 = arith.addi %parallel_loop3A_302, %parallel_loop3A_304 : i32
        %parallel_loop3A_306 = arith.constant 2 : i32
        %parallel_loop3A_307 = arith.muli %scan3A_278, %parallel_loop3A_306 : i32
        %parallel_loop3A_308 = arith.constant 2 : i32
        %parallel_loop3A_309 = arith.shrsi %parallel_loop3A_300, %parallel_loop3A_308 : i32
        %parallel_loop3A_310 = arith.addi %parallel_loop3A_307, %parallel_loop3A_309 : i32
        %parallel_loop3A_311 = arith.constant 3 : i32
        %parallel_loop3A_312 = arith.andi %parallel_loop3A_300, %parallel_loop3A_311 : i32
        %parallel_loop3A_313 = arith.constant 16 : i32
        %parallel_loop3A_314 = arith.muli %parallel_loop3A_312, %parallel_loop3A_313 : i32
        %parallel_loop3A_315 = arith.index_cast %parallel_loop3A_310 : i32 to index
        %parallel_loop3A_316 = arith.index_cast %parallel_loop3A_314 : i32 to index
        %parallel_loop3A_317 = tpu.vector_load %arg7[%parallel_loop3A_315, %parallel_loop3A_316] {strides = array<i32>} : memref<16x64xf32, #tpu.memory_space<vmem>>, vector<16xf32>,
        %parallel_loop3A_318 = arith.constant 1.000000e+00 : f32
        %parallel_loop3A_319 = vector.broadcast %parallel_loop3A_318 : f32 to vector<16xf32>
        %parallel_loop3A_320 = arith.addf %parallel_loop3A_317, %parallel_loop3A_319 : vector<16xf32>
        %parallel_loop3A_321 = arith.constant 6.300000e+01 : f32
        %parallel_loop3A_322 = vector.broadcast %parallel_loop3A_321 : f32 to vector<16xf32>
        %parallel_loop3A_323 = arith.mulf %parallel_loop3A_320, %parallel_loop3A_322 : vector<16xf32>
        %parallel_loop3A_324 = arith.constant 2.000000e+00 : f32
        %parallel_loop3A_325 = vector.broadcast %parallel_loop3A_324 : f32 to vector<16xf32>
        %parallel_loop3A_326 = arith.divf %parallel_loop3A_323, %parallel_loop3A_325 : vector<16xf32>
        %parallel_loop3A_327 = arith.index_cast %parallel_loop3A_310 : i32 to index
        %parallel_loop3A_328 = arith.index_cast %parallel_loop3A_314 : i32 to index
        %parallel_loop3A_329 = tpu.vector_load %arg8[%parallel_loop3A_327, %parallel_loop3A_328] {strides = array<i32>} : memref<16x64xf32, #tpu.memory_space<vmem>>, vector<16xf32>,
        %parallel_loop3A_330 = arith.constant 1.000000e+00 : f32
        %parallel_loop3A_331 = vector.broadcast %parallel_loop3A_330 : f32 to vector<16xf32>
        %parallel_loop3A_332 = arith.addf %parallel_loop3A_329, %parallel_loop3A_331 : vector<16xf32>
        %parallel_loop3A_333 = arith.constant 6.300000e+01 : f32
        %parallel_loop3A_334 = vector.broadcast %parallel_loop3A_333 : f32 to vector<16xf32>
        %parallel_loop3A_335 = arith.mulf %parallel_loop3A_332, %parallel_loop3A_334 : vector<16xf32>
        %parallel_loop3A_336 = arith.constant 2.000000e+00 : f32
        %parallel_loop3A_337 = vector.broadcast %parallel_loop3A_336 : f32 to vector<16xf32>
        %parallel_loop3A_338 = arith.divf %parallel_loop3A_335, %parallel_loop3A_337 : vector<16xf32>
        %parallel_loop3A_339 = arith.fptosi %parallel_loop3A_326 : vector<16xf32> to vector<16xi32>
        %parallel_loop3A_340 = arith.fptosi %parallel_loop3A_338 : vector<16xf32> to vector<16xi32>
        %parallel_loop3A_341 = arith.sitofp %parallel_loop3A_339 : vector<16xi32> to vector<16xf32>
        %parallel_loop3A_342 = arith.sitofp %parallel_loop3A_340 : vector<16xi32> to vector<16xf32>
        %parallel_loop3A_343 = arith.constant 1 : i32
        %parallel_loop3A_344 = vector.broadcast %parallel_loop3A_343 : i32 to vector<16xi32>
        %parallel_loop3A_345 = arith.addi %parallel_loop3A_339, %parallel_loop3A_344 : vector<16xi32>
        %parallel_loop3A_346 = arith.constant 63 : i32
        %parallel_loop3A_347 = vector.broadcast %parallel_loop3A_346 : i32 to vector<16xi32>
        %parallel_loop3A_348 = arith.minsi %parallel_loop3A_345, %parallel_loop3A_347 : vector<16xi32>
        %parallel_loop3A_349 = arith.constant 1 : i32
        %parallel_loop3A_350 = vector.broadcast %parallel_loop3A_349 : i32 to vector<16xi32>
        %parallel_loop3A_351 = arith.addi %parallel_loop3A_340, %parallel_loop3A_350 : vector<16xi32>
        %parallel_loop3A_352 = arith.constant 63 : i32
        %parallel_loop3A_353 = vector.broadcast %parallel_loop3A_352 : i32 to vector<16xi32>
        %parallel_loop3A_354 = arith.minsi %parallel_loop3A_351, %parallel_loop3A_353 : vector<16xi32>
        %parallel_loop3A_355 = arith.subi %parallel_loop3A_348, %parallel_loop3A_339 : vector<16xi32>
        %parallel_loop3A_356 = arith.subi %parallel_loop3A_354, %parallel_loop3A_340 : vector<16xi32>
        %parallel_loop3A_357 = arith.addi %add3A_169, %parallel_loop3A_305 : i32
        %parallel_loop3A_358 = arith.constant 3 : i32
        %parallel_loop3A_359 = arith.shrsi %parallel_loop3A_357, %parallel_loop3A_358 : i32
        %parallel_loop3A_360 = arith.constant 32768 : i32
        %parallel_loop3A_361 = arith.muli %parallel_loop3A_359, %parallel_loop3A_360 : i32
        %parallel_loop3A_362 = vector.broadcast %parallel_loop3A_361 : i32 to vector<16xi32>
        %parallel_loop3A_363 = arith.addi %parallel_loop3A_362, %add3A_180 : vector<16xi32>
        %parallel_loop3A_364 = arith.addi %parallel_loop3A_363, %parallel_loop3A_339 : vector<16xi32>
        %parallel_loop3A_365 = arith.constant 1 : i32
        %parallel_loop3A_366 = vector.broadcast %parallel_loop3A_365 : i32 to vector<16xi32>
        %parallel_loop3A_367 = arith.shrsi %parallel_loop3A_340, %parallel_loop3A_366 : vector<16xi32>
        %parallel_loop3A_368 = arith.constant 10 : i32
        %parallel_loop3A_369 = vector.broadcast %parallel_loop3A_368 : i32 to vector<16xi32>
        %parallel_loop3A_370 = arith.shli %parallel_loop3A_367, %parallel_loop3A_369 : vector<16xi32>
        %parallel_loop3A_371 = arith.addi %parallel_loop3A_364, %parallel_loop3A_370 : vector<16xi32>
        %parallel_loop3A_372 = arith.constant 1 : i32
        %parallel_loop3A_373 = vector.broadcast %parallel_loop3A_372 : i32 to vector<16xi32>
        %parallel_loop3A_374 = arith.andi %parallel_loop3A_340, %parallel_loop3A_373 : vector<16xi32>
        %parallel_loop3A_375 = arith.constant 6 : i32
        %parallel_loop3A_376 = vector.broadcast %parallel_loop3A_375 : i32 to vector<16xi32>
        %parallel_loop3A_377 = arith.shli %parallel_loop3A_374, %parallel_loop3A_376 : vector<16xi32>
        %parallel_loop3A_378 = arith.addi %parallel_loop3A_371, %parallel_loop3A_377 : vector<16xi32>
        %parallel_loop3A_379 = arith.constant 1 : i32
        %parallel_loop3A_380 = vector.broadcast %parallel_loop3A_379 : i32 to vector<16xi32>
        %parallel_loop3A_381 = arith.shrsi %parallel_loop3A_354, %parallel_loop3A_380 : vector<16xi32>
        %parallel_loop3A_382 = arith.constant 10 : i32
        %parallel_loop3A_383 = vector.broadcast %parallel_loop3A_382 : i32 to vector<16xi32>
        %parallel_loop3A_384 = arith.shli %parallel_loop3A_381, %parallel_loop3A_383 : vector<16xi32>
        %parallel_loop3A_385 = arith.addi %parallel_loop3A_364, %parallel_loop3A_384 : vector<16xi32>
        %parallel_loop3A_386 = arith.constant 1 : i32
        %parallel_loop3A_387 = vector.broadcast %parallel_loop3A_386 : i32 to vector<16xi32>
        %parallel_loop3A_388 = arith.andi %parallel_loop3A_354, %parallel_loop3A_387 : vector<16xi32>
        %parallel_loop3A_389 = arith.constant 6 : i32
        %parallel_loop3A_390 = vector.broadcast %parallel_loop3A_389 : i32 to vector<16xi32>
        %parallel_loop3A_391 = arith.shli %parallel_loop3A_388, %parallel_loop3A_390 : vector<16xi32>
        %parallel_loop3A_392 = arith.addi %parallel_loop3A_385, %parallel_loop3A_391 : vector<16xi32>
        %parallel_loop3A_393 = arith.index_cast %parallel_loop3A_305 : i32 to index
        %parallel_loop3A_394 = tpu.vector_load %arg10[%parallel_loop3A_393] {strides = array<i32>} : memref<1024xi32, #tpu.memory_space<vmem>>, vector<16xi32>,
        tpu.vector_store %arg10[%parallel_loop3A_393], %parallel_loop3A_378 {strides = array<i32>} : memref<1024xi32, #tpu.memory_space<vmem>>, vector<16xi32>,
        %parallel_loop3A_395 = arith.addi %parallel_loop3A_378, %parallel_loop3A_355 : vector<16xi32>
        %parallel_loop3A_396 = arith.index_cast %parallel_loop3A_305 : i32 to index
        %parallel_loop3A_397 = tpu.vector_load %arg11[%parallel_loop3A_396] {strides = array<i32>} : memref<1024xi32, #tpu.memory_space<vmem>>, vector<16xi32>,
        tpu.vector_store %arg11[%parallel_loop3A_396], %parallel_loop3A_395 {strides = array<i32>} : memref<1024xi32, #tpu.memory_space<vmem>>, vector<16xi32>,
        %parallel_loop3A_398 = arith.index_cast %parallel_loop3A_305 : i32 to index
        %parallel_loop3A_399 = tpu.vector_load %arg12[%parallel_loop3A_398] {strides = array<i32>} : memref<1024xi32, #tpu.memory_space<vmem>>, vector<16xi32>,
        tpu.vector_store %arg12[%parallel_loop3A_398], %parallel_loop3A_392 {strides = array<i32>} : memref<1024xi32, #tpu.memory_space<vmem>>, vector<16xi32>,
        %parallel_loop3A_400 = arith.addi %parallel_loop3A_392, %parallel_loop3A_355 : vector<16xi32>
        %parallel_loop3A_401 = arith.index_cast %parallel_loop3A_305 : i32 to index
        %parallel_loop3A_402 = tpu.vector_load %arg13[%parallel_loop3A_401] {strides = array<i32>} : memref<1024xi32, #tpu.memory_space<vmem>>, vector<16xi32>,
        tpu.vector_store %arg13[%parallel_loop3A_401], %parallel_loop3A_400 {strides = array<i32>} : memref<1024xi32, #tpu.memory_space<vmem>>, vector<16xi32>,
        %parallel_loop3A_403 = arith.index_cast %parallel_loop3A_305 : i32 to index
        %parallel_loop3A_404 = tpu.vector_load %arg14[%parallel_loop3A_403] {strides = array<i32>} : memref<1024xi32, #tpu.memory_space<vmem>>, vector<16xi32>,
        tpu.vector_store %arg14[%parallel_loop3A_403], %parallel_loop3A_340 {strides = array<i32>} : memref<1024xi32, #tpu.memory_space<vmem>>, vector<16xi32>,
        %parallel_loop3A_405 = arith.index_cast %parallel_loop3A_305 : i32 to index
        %parallel_loop3A_406 = tpu.vector_load %arg15[%parallel_loop3A_405] {strides = array<i32>} : memref<1024xi32, #tpu.memory_space<vmem>>, vector<16xi32>,
        tpu.vector_store %arg15[%parallel_loop3A_405], %parallel_loop3A_339 {strides = array<i32>} : memref<1024xi32, #tpu.memory_space<vmem>>, vector<16xi32>,
        %parallel_loop3A_407 = arith.index_cast %parallel_loop3A_305 : i32 to index
        %parallel_loop3A_408 = tpu.vector_load %arg16[%parallel_loop3A_407] {strides = array<i32>} : memref<1024xi32, #tpu.memory_space<vmem>>, vector<16xi32>,
        tpu.vector_store %arg16[%parallel_loop3A_407], %parallel_loop3A_354 {strides = array<i32>} : memref<1024xi32, #tpu.memory_space<vmem>>, vector<16xi32>,
        %parallel_loop3A_409 = arith.index_cast %parallel_loop3A_305 : i32 to index
        %parallel_loop3A_410 = tpu.vector_load %arg17[%parallel_loop3A_409] {strides = array<i32>} : memref<1024xi32, #tpu.memory_space<vmem>>, vector<16xi32>,
        tpu.vector_store %arg17[%parallel_loop3A_409], %parallel_loop3A_348 {strides = array<i32>} : memref<1024xi32, #tpu.memory_space<vmem>>, vector<16xi32>,
        %parallel_loop3A_411 = arith.constant 1.000000e+00 : f32
        %parallel_loop3A_412 = vector.broadcast %parallel_loop3A_411 : f32 to vector<16xf32>
        %parallel_loop3A_413 = arith.addf %parallel_loop3A_341, %parallel_loop3A_412 : vector<16xf32>
        %parallel_loop3A_414 = arith.subf %parallel_loop3A_413, %parallel_loop3A_326 : vector<16xf32>
        %parallel_loop3A_415 = arith.subf %parallel_loop3A_326, %parallel_loop3A_341 : vector<16xf32>
        %parallel_loop3A_416 = arith.constant 1.000000e+00 : f32
        %parallel_loop3A_417 = vector.broadcast %parallel_loop3A_416 : f32 to vector<16xf32>
        %parallel_loop3A_418 = arith.addf %parallel_loop3A_342, %parallel_loop3A_417 : vector<16xf32>
        %parallel_loop3A_419 = arith.subf %parallel_loop3A_418, %parallel_loop3A_338 : vector<16xf32>
        %parallel_loop3A_420 = arith.subf %parallel_loop3A_338, %parallel_loop3A_342 : vector<16xf32>
        %parallel_loop3A_421 = arith.sitofp %parallel_loop3A_355 : vector<16xi32> to vector<16xf32>
        %parallel_loop3A_422 = arith.sitofp %parallel_loop3A_356 : vector<16xi32> to vector<16xf32>
        %parallel_loop3A_423 = arith.mulf %parallel_loop3A_419, %parallel_loop3A_414 : vector<16xf32>
        %parallel_loop3A_424 = arith.mulf %parallel_loop3A_421, %parallel_loop3A_422 : vector<16xf32>
        %parallel_loop3A_425 = arith.mulf %parallel_loop3A_423, %parallel_loop3A_424 : vector<16xf32>
        %parallel_loop3A_426 = arith.mulf %parallel_loop3A_419, %parallel_loop3A_415 : vector<16xf32>
        %parallel_loop3A_427 = arith.mulf %parallel_loop3A_426, %parallel_loop3A_422 : vector<16xf32>
        %parallel_loop3A_428 = arith.mulf %parallel_loop3A_420, %parallel_loop3A_414 : vector<16xf32>
        %parallel_loop3A_429 = arith.mulf %parallel_loop3A_428, %parallel_loop3A_421 : vector<16xf32>
        %parallel_loop3A_430 = arith.mulf %parallel_loop3A_420, %parallel_loop3A_415 : vector<16xf32>
        %parallel_loop3A_431 = arith.constant 64 : i32
        %parallel_loop3A_432 = vector.broadcast %parallel_loop3A_431 : i32 to vector<16xi32>
        %parallel_loop3A_433 = arith.addi %parallel_loop3A_340, %parallel_loop3A_432 : vector<16xi32>
        %parallel_loop3A_434 = arith.constant 128 : i32
        %parallel_loop3A_435 = vector.broadcast %parallel_loop3A_434 : i32 to vector<16xi32>
        %parallel_loop3A_436 = arith.addi %parallel_loop3A_340, %parallel_loop3A_435 : vector<16xi32>
        %parallel_loop3A_437 = arith.constant 64 : i32
        %parallel_loop3A_438 = vector.broadcast %parallel_loop3A_437 : i32 to vector<16xi32>
        %parallel_loop3A_439 = arith.addi %parallel_loop3A_354, %parallel_loop3A_438 : vector<16xi32>
        %parallel_loop3A_440 = arith.constant 128 : i32
        %parallel_loop3A_441 = vector.broadcast %parallel_loop3A_440 : i32 to vector<16xi32>
        %parallel_loop3A_442 = arith.addi %parallel_loop3A_354, %parallel_loop3A_441 : vector<16xi32>
        %parallel_loop3A_443 = tpu.vector_load_idx %arg9[%parallel_loop3A_340, %parallel_loop3A_339] : memref<192x64xf32, #tpu.memory_space<vmem>>[vector<16xi32>, vector<16xi32>], vector<16xf32>,
        %parallel_loop3A_444 = tpu.vector_load_idx %arg9[%parallel_loop3A_433, %parallel_loop3A_339] : memref<192x64xf32, #tpu.memory_space<vmem>>[vector<16xi32>, vector<16xi32>], vector<16xf32>,
        %parallel_loop3A_445 = tpu.vector_load_idx %arg9[%parallel_loop3A_436, %parallel_loop3A_339] : memref<192x64xf32, #tpu.memory_space<vmem>>[vector<16xi32>, vector<16xi32>], vector<16xf32>,
        %parallel_loop3A_446 = tpu.vector_load_idx %arg9[%parallel_loop3A_340, %parallel_loop3A_348] : memref<192x64xf32, #tpu.memory_space<vmem>>[vector<16xi32>, vector<16xi32>], vector<16xf32>,
        %parallel_loop3A_447 = tpu.vector_load_idx %arg9[%parallel_loop3A_433, %parallel_loop3A_348] : memref<192x64xf32, #tpu.memory_space<vmem>>[vector<16xi32>, vector<16xi32>], vector<16xf32>,
        %parallel_loop3A_448 = tpu.vector_load_idx %arg9[%parallel_loop3A_436, %parallel_loop3A_348] : memref<192x64xf32, #tpu.memory_space<vmem>>[vector<16xi32>, vector<16xi32>], vector<16xf32>,
        %parallel_loop3A_449 = tpu.vector_load_idx %arg9[%parallel_loop3A_354, %parallel_loop3A_339] : memref<192x64xf32, #tpu.memory_space<vmem>>[vector<16xi32>, vector<16xi32>], vector<16xf32>,
        %parallel_loop3A_450 = tpu.vector_load_idx %arg9[%parallel_loop3A_439, %parallel_loop3A_339] : memref<192x64xf32, #tpu.memory_space<vmem>>[vector<16xi32>, vector<16xi32>], vector<16xf32>,
        %parallel_loop3A_451 = tpu.vector_load_idx %arg9[%parallel_loop3A_442, %parallel_loop3A_339] : memref<192x64xf32, #tpu.memory_space<vmem>>[vector<16xi32>, vector<16xi32>], vector<16xf32>,
        %parallel_loop3A_452 = tpu.vector_load_idx %arg9[%parallel_loop3A_354, %parallel_loop3A_348] : memref<192x64xf32, #tpu.memory_space<vmem>>[vector<16xi32>, vector<16xi32>], vector<16xf32>,
        %parallel_loop3A_453 = tpu.vector_load_idx %arg9[%parallel_loop3A_439, %parallel_loop3A_348] : memref<192x64xf32, #tpu.memory_space<vmem>>[vector<16xi32>, vector<16xi32>], vector<16xf32>,
        %parallel_loop3A_454 = tpu.vector_load_idx %arg9[%parallel_loop3A_442, %parallel_loop3A_348] : memref<192x64xf32, #tpu.memory_space<vmem>>[vector<16xi32>, vector<16xi32>], vector<16xf32>,
        %parallel_loop3A_455 = arith.constant 6 : i32
        %parallel_loop3A_456 = arith.shrsi %parallel_loop3A_305, %parallel_loop3A_455 : i32
        %parallel_loop3A_457 = arith.constant 128 : i32
        %parallel_loop3A_458 = arith.muli %parallel_loop3A_456, %parallel_loop3A_457 : i32
        %parallel_loop3A_459 = arith.constant 63 : i32
        %parallel_loop3A_460 = arith.andi %parallel_loop3A_305, %parallel_loop3A_459 : i32
        %parallel_loop3A_461 = arith.addi %parallel_loop3A_458, %parallel_loop3A_460 : i32
        %parallel_loop3A_462 = arith.mulf %parallel_loop3A_425, %parallel_loop3A_443 : vector<16xf32>
        %parallel_loop3A_463 = arith.mulf %parallel_loop3A_427, %parallel_loop3A_446 : vector<16xf32>
        %parallel_loop3A_464 = arith.addf %parallel_loop3A_462, %parallel_loop3A_463 : vector<16xf32>
        %parallel_loop3A_465 = arith.mulf %parallel_loop3A_429, %parallel_loop3A_449 : vector<16xf32>
        %parallel_loop3A_466 = arith.addf %parallel_loop3A_464, %parallel_loop3A_465 : vector<16xf32>
        %parallel_loop3A_467 = arith.mulf %parallel_loop3A_430, %parallel_loop3A_452 : vector<16xf32>
        %parallel_loop3A_468 = arith.addf %parallel_loop3A_466, %parallel_loop3A_467 : vector<16xf32>
        %parallel_loop3A_469 = arith.index_cast %parallel_loop3A_461 : i32 to index
        %parallel_loop3A_470 = tpu.vector_load %arg22[%parallel_loop3A_469] {strides = array<i32>} : memref<2048xf32, #tpu.memory_space<vmem>>, vector<16xf32>,
        tpu.vector_store %arg22[%parallel_loop3A_469], %parallel_loop3A_468 {strides = array<i32>} : memref<2048xf32, #tpu.memory_space<vmem>>, vector<16xf32>,
        %parallel_loop3A_471 = arith.mulf %parallel_loop3A_425, %parallel_loop3A_444 : vector<16xf32>
        %parallel_loop3A_472 = arith.mulf %parallel_loop3A_427, %parallel_loop3A_447 : vector<16xf32>
        %parallel_loop3A_473 = arith.addf %parallel_loop3A_471, %parallel_loop3A_472 : vector<16xf32>
        %parallel_loop3A_474 = arith.mulf %parallel_loop3A_429, %parallel_loop3A_450 : vector<16xf32>
        %parallel_loop3A_475 = arith.addf %parallel_loop3A_473, %parallel_loop3A_474 : vector<16xf32>
        %parallel_loop3A_476 = arith.mulf %parallel_loop3A_430, %parallel_loop3A_453 : vector<16xf32>
        %parallel_loop3A_477 = arith.addf %parallel_loop3A_475, %parallel_loop3A_476 : vector<16xf32>
        %parallel_loop3A_478 = arith.index_cast %parallel_loop3A_461 : i32 to index
        %parallel_loop3A_479 = tpu.vector_load %arg23[%parallel_loop3A_478] {strides = array<i32>} : memref<2048xf32, #tpu.memory_space<vmem>>, vector<16xf32>,
        tpu.vector_store %arg23[%parallel_loop3A_478], %parallel_loop3A_477 {strides = array<i32>} : memref<2048xf32, #tpu.memory_space<vmem>>, vector<16xf32>,
        %parallel_loop3A_480 = arith.mulf %parallel_loop3A_425, %parallel_loop3A_445 : vector<16xf32>
        %parallel_loop3A_481 = arith.mulf %parallel_loop3A_427, %parallel_loop3A_448 : vector<16xf32>
        %parallel_loop3A_482 = arith.addf %parallel_loop3A_480, %parallel_loop3A_481 : vector<16xf32>
        %parallel_loop3A_483 = arith.mulf %parallel_loop3A_429, %parallel_loop3A_451 : vector<16xf32>
        %parallel_loop3A_484 = arith.addf %parallel_loop3A_482, %parallel_loop3A_483 : vector<16xf32>
        %parallel_loop3A_485 = arith.mulf %parallel_loop3A_430, %parallel_loop3A_454 : vector<16xf32>
        %parallel_loop3A_486 = arith.addf %parallel_loop3A_484, %parallel_loop3A_485 : vector<16xf32>
        %parallel_loop3A_487 = arith.index_cast %parallel_loop3A_461 : i32 to index
        %parallel_loop3A_488 = tpu.vector_load %arg24[%parallel_loop3A_487] {strides = array<i32>} : memref<2048xf32, #tpu.memory_space<vmem>>, vector<16xf32>,
        tpu.vector_store %arg24[%parallel_loop3A_487], %parallel_loop3A_486 {strides = array<i32>} : memref<2048xf32, #tpu.memory_space<vmem>>, vector<16xf32>,
      } {sc.loop_unroll_factor = 1 : i64, sc.parallel_access}
      %mul3A_282 = arith.constant 128 : i32
      %mul3A_283 = arith.muli %scan3A_278, %mul3A_282 : i32
      %dma_start3A_284 = tpu.memref_slice %arg18[%mul3A_283] : memref<1024xf32, #tpu.memory_space<vmem>> -> memref<128xf32, #tpu.memory_space<vmem>>
      %dma_start3A_285 = tpu.memref_slice %arg10[%mul3A_283] : memref<1024xi32, #tpu.memory_space<vmem>> -> memref<128xi32, #tpu.memory_space<vmem>>
      %dma_start3A_286 = arith.constant 0 : i32
      %dma_start3A_287 = tpu.memref_slice %arg2[%dma_start3A_286] : memref<134217728xf32, #tpu.memory_space<hbm>> -> memref<134217728xf32, #tpu.memory_space<hbm>>
      tpu.enqueue_indirect_dma source(%dma_start3A_287 : memref<134217728xf32, #tpu.memory_space<hbm>>) target(%dma_start3A_284 : memref<128xf32, #tpu.memory_space<vmem>>) offsets(%dma_start3A_285 : memref<128xi32, #tpu.memory_space<vmem>>) semaphore(%arg28 : memref<!tpu.dma_semaphore, #tpu.memory_space<semaphore_mem>>)
      %dma_start3A_288 = tpu.memref_slice %arg19[%mul3A_283] : memref<1024xf32, #tpu.memory_space<vmem>> -> memref<128xf32, #tpu.memory_space<vmem>>
      %dma_start3A_289 = tpu.memref_slice %arg11[%mul3A_283] : memref<1024xi32, #tpu.memory_space<vmem>> -> memref<128xi32, #tpu.memory_space<vmem>>
      %dma_start3A_290 = arith.constant 0 : i32
      %dma_start3A_291 = tpu.memref_slice %arg2[%dma_start3A_290] : memref<134217728xf32, #tpu.memory_space<hbm>> -> memref<134217728xf32, #tpu.memory_space<hbm>>
      tpu.enqueue_indirect_dma source(%dma_start3A_291 : memref<134217728xf32, #tpu.memory_space<hbm>>) target(%dma_start3A_288 : memref<128xf32, #tpu.memory_space<vmem>>) offsets(%dma_start3A_289 : memref<128xi32, #tpu.memory_space<vmem>>) semaphore(%arg29 : memref<!tpu.dma_semaphore, #tpu.memory_space<semaphore_mem>>)
      %dma_start3A_292 = tpu.memref_slice %arg20[%mul3A_283] : memref<1024xf32, #tpu.memory_space<vmem>> -> memref<128xf32, #tpu.memory_space<vmem>>
      %dma_start3A_293 = tpu.memref_slice %arg12[%mul3A_283] : memref<1024xi32, #tpu.memory_space<vmem>> -> memref<128xi32, #tpu.memory_space<vmem>>
      %dma_start3A_294 = arith.constant 0 : i32
      %dma_start3A_295 = tpu.memref_slice %arg2[%dma_start3A_294] : memref<134217728xf32, #tpu.memory_space<hbm>> -> memref<134217728xf32, #tpu.memory_space<hbm>>
      tpu.enqueue_indirect_dma source(%dma_start3A_295 : memref<134217728xf32, #tpu.memory_space<hbm>>) target(%dma_start3A_292 : memref<128xf32, #tpu.memory_space<vmem>>) offsets(%dma_start3A_293 : memref<128xi32, #tpu.memory_space<vmem>>) semaphore(%arg30 : memref<!tpu.dma_semaphore, #tpu.memory_space<semaphore_mem>>)
      %dma_start3A_296 = tpu.memref_slice %arg21[%mul3A_283] : memref<1024xf32, #tpu.memory_space<vmem>> -> memref<128xf32, #tpu.memory_space<vmem>>
      %dma_start3A_297 = tpu.memref_slice %arg13[%mul3A_283] : memref<1024xi32, #tpu.memory_space<vmem>> -> memref<128xi32, #tpu.memory_space<vmem>>
      %dma_start3A_298 = arith.constant 0 : i32
      %dma_start3A_299 = tpu.memref_slice %arg2[%dma_start3A_298] : memref<134217728xf32, #tpu.memory_space<hbm>> -> memref<134217728xf32, #tpu.memory_space<hbm>>
      tpu.enqueue_indirect_dma source(%dma_start3A_299 : memref<134217728xf32, #tpu.memory_space<hbm>>) target(%dma_start3A_296 : memref<128xf32, #tpu.memory_space<vmem>>) offsets(%dma_start3A_297 : memref<128xi32, #tpu.memory_space<vmem>>) semaphore(%arg31 : memref<!tpu.dma_semaphore, #tpu.memory_space<semaphore_mem>>)
    }
    %scan3A_185 = arith.constant 8 : i32
    %scan3A_186 = arith.constant 0 : i32
    %scan3A_187 = arith.constant 0 : i32
    %scan3A_188 = arith.constant 8 : i32
    %scan3A_189 = arith.addi %scan3A_187, %scan3A_188 : i32
    %scan3A_190 = arith.constant 1 : i32
    scf.for %scan3A_278 = %scan3A_187 to %scan3A_189 step %scan3A_190  : i32 {
      %mul3A_279 = arith.constant 128 : i32
      %mul3A_280 = arith.muli %scan3A_278, %mul3A_279 : i32
      %dma_wait3A_281 = tpu.memref_slice %arg18[%mul3A_280] : memref<1024xf32, #tpu.memory_space<vmem>> -> memref<128xf32, #tpu.memory_space<vmem>>
      %dma_wait3A_282 = tpu.memref_slice %arg10[%mul3A_280] : memref<1024xi32, #tpu.memory_space<vmem>> -> memref<128xi32, #tpu.memory_space<vmem>>
      %dma_wait3A_283 = arith.constant 0 : i32
      %dma_wait3A_284 = tpu.memref_slice %arg2[%dma_wait3A_283] : memref<134217728xf32, #tpu.memory_space<hbm>> -> memref<134217728xf32, #tpu.memory_space<hbm>>
      tpu.wait_indirect_dma semaphore(%arg28 : memref<!tpu.dma_semaphore, #tpu.memory_space<semaphore_mem>>) src(%dma_wait3A_284 : memref<134217728xf32, #tpu.memory_space<hbm>>) dst(%dma_wait3A_281 : memref<128xf32, #tpu.memory_space<vmem>>)
      %dma_wait3A_285 = tpu.memref_slice %arg19[%mul3A_280] : memref<1024xf32, #tpu.memory_space<vmem>> -> memref<128xf32, #tpu.memory_space<vmem>>
      %dma_wait3A_286 = tpu.memref_slice %arg11[%mul3A_280] : memref<1024xi32, #tpu.memory_space<vmem>> -> memref<128xi32, #tpu.memory_space<vmem>>
      %dma_wait3A_287 = arith.constant 0 : i32
      %dma_wait3A_288 = tpu.memref_slice %arg2[%dma_wait3A_287] : memref<134217728xf32, #tpu.memory_space<hbm>> -> memref<134217728xf32, #tpu.memory_space<hbm>>
      tpu.wait_indirect_dma semaphore(%arg29 : memref<!tpu.dma_semaphore, #tpu.memory_space<semaphore_mem>>) src(%dma_wait3A_288 : memref<134217728xf32, #tpu.memory_space<hbm>>) dst(%dma_wait3A_285 : memref<128xf32, #tpu.memory_space<vmem>>)
      %dma_wait3A_289 = tpu.memref_slice %arg20[%mul3A_280] : memref<1024xf32, #tpu.memory_space<vmem>> -> memref<128xf32, #tpu.memory_space<vmem>>
      %dma_wait3A_290 = tpu.memref_slice %arg12[%mul3A_280] : memref<1024xi32, #tpu.memory_space<vmem>> -> memref<128xi32, #tpu.memory_space<vmem>>
      %dma_wait3A_291 = arith.constant 0 : i32
      %dma_wait3A_292 = tpu.memref_slice %arg2[%dma_wait3A_291] : memref<134217728xf32, #tpu.memory_space<hbm>> -> memref<134217728xf32, #tpu.memory_space<hbm>>
      tpu.wait_indirect_dma semaphore(%arg30 : memref<!tpu.dma_semaphore, #tpu.memory_space<semaphore_mem>>) src(%dma_wait3A_292 : memref<134217728xf32, #tpu.memory_space<hbm>>) dst(%dma_wait3A_289 : memref<128xf32, #tpu.memory_space<vmem>>)
      %dma_wait3A_293 = tpu.memref_slice %arg21[%mul3A_280] : memref<1024xf32, #tpu.memory_space<vmem>> -> memref<128xf32, #tpu.memory_space<vmem>>
      %dma_wait3A_294 = tpu.memref_slice %arg13[%mul3A_280] : memref<1024xi32, #tpu.memory_space<vmem>> -> memref<128xi32, #tpu.memory_space<vmem>>
      %dma_wait3A_295 = arith.constant 0 : i32
      %dma_wait3A_296 = tpu.memref_slice %arg2[%dma_wait3A_295] : memref<134217728xf32, #tpu.memory_space<hbm>> -> memref<134217728xf32, #tpu.memory_space<hbm>>
      tpu.wait_indirect_dma semaphore(%arg31 : memref<!tpu.dma_semaphore, #tpu.memory_space<semaphore_mem>>) src(%dma_wait3A_296 : memref<134217728xf32, #tpu.memory_space<hbm>>) dst(%dma_wait3A_293 : memref<128xf32, #tpu.memory_space<vmem>>)
    }
    %scan3A_191 = arith.constant 8 : i32
    %parallel_loop3A = arith.constant 0 : i32
    %parallel_loop3A_192 = arith.constant 64 : i32
    %parallel_loop3A_193 = arith.constant 1 : i32
    scf.for %parallel_loop3A_278 = %parallel_loop3A to %parallel_loop3A_192 step %parallel_loop3A_193  : i32 {
      %parallel_loop3A_279 = arith.constant 16 : i32
      %parallel_loop3A_280 = arith.muli %parallel_loop3A_278, %parallel_loop3A_279 : i32
      %parallel_loop3A_281 = arith.index_cast %parallel_loop3A_280 : i32 to index
      %parallel_loop3A_282 = tpu.vector_load %arg14[%parallel_loop3A_281] {strides = array<i32>} : memref<1024xi32, #tpu.memory_space<vmem>>, vector<16xi32>,
      %parallel_loop3A_283 = arith.index_cast %parallel_loop3A_280 : i32 to index
      %parallel_loop3A_284 = tpu.vector_load %arg15[%parallel_loop3A_283] {strides = array<i32>} : memref<1024xi32, #tpu.memory_space<vmem>>, vector<16xi32>,
      %parallel_loop3A_285 = arith.index_cast %parallel_loop3A_280 : i32 to index
      %parallel_loop3A_286 = tpu.vector_load %arg16[%parallel_loop3A_285] {strides = array<i32>} : memref<1024xi32, #tpu.memory_space<vmem>>, vector<16xi32>,
      %parallel_loop3A_287 = arith.index_cast %parallel_loop3A_280 : i32 to index
      %parallel_loop3A_288 = tpu.vector_load %arg17[%parallel_loop3A_287] {strides = array<i32>} : memref<1024xi32, #tpu.memory_space<vmem>>, vector<16xi32>,
      %parallel_loop3A_289 = arith.subi %parallel_loop3A_288, %parallel_loop3A_284 : vector<16xi32>
      %parallel_loop3A_290 = arith.sitofp %parallel_loop3A_289 : vector<16xi32> to vector<16xf32>
      %parallel_loop3A_291 = arith.subi %parallel_loop3A_286, %parallel_loop3A_282 : vector<16xi32>
      %parallel_loop3A_292 = arith.sitofp %parallel_loop3A_291 : vector<16xi32> to vector<16xf32>
      %parallel_loop3A_293 = arith.index_cast %parallel_loop3A_280 : i32 to index
      %parallel_loop3A_294 = tpu.vector_load %arg18[%parallel_loop3A_293] {strides = array<i32>} : memref<1024xf32, #tpu.memory_space<vmem>>, vector<16xf32>,
      %parallel_loop3A_295 = arith.mulf %parallel_loop3A_290, %parallel_loop3A_292 : vector<16xf32>
      %parallel_loop3A_296 = arith.mulf %parallel_loop3A_294, %parallel_loop3A_295 : vector<16xf32>
      %parallel_loop3A_297 = arith.index_cast %parallel_loop3A_280 : i32 to index
      %parallel_loop3A_298 = tpu.vector_load %arg19[%parallel_loop3A_297] {strides = array<i32>} : memref<1024xf32, #tpu.memory_space<vmem>>, vector<16xf32>,
      %parallel_loop3A_299 = arith.mulf %parallel_loop3A_298, %parallel_loop3A_292 : vector<16xf32>
      %parallel_loop3A_300 = arith.index_cast %parallel_loop3A_280 : i32 to index
      %parallel_loop3A_301 = tpu.vector_load %arg20[%parallel_loop3A_300] {strides = array<i32>} : memref<1024xf32, #tpu.memory_space<vmem>>, vector<16xf32>,
      %parallel_loop3A_302 = arith.mulf %parallel_loop3A_301, %parallel_loop3A_290 : vector<16xf32>
      %parallel_loop3A_303 = arith.index_cast %parallel_loop3A_280 : i32 to index
      %parallel_loop3A_304 = tpu.vector_load %arg21[%parallel_loop3A_303] {strides = array<i32>} : memref<1024xf32, #tpu.memory_space<vmem>>, vector<16xf32>,
      %parallel_loop3A_305 = arith.constant 64 : i32
      %parallel_loop3A_306 = vector.broadcast %parallel_loop3A_305 : i32 to vector<16xi32>
      %parallel_loop3A_307 = arith.addi %parallel_loop3A_282, %parallel_loop3A_306 : vector<16xi32>
      %parallel_loop3A_308 = arith.constant 128 : i32
      %parallel_loop3A_309 = vector.broadcast %parallel_loop3A_308 : i32 to vector<16xi32>
      %parallel_loop3A_310 = arith.addi %parallel_loop3A_282, %parallel_loop3A_309 : vector<16xi32>
      %parallel_loop3A_311 = arith.constant 64 : i32
      %parallel_loop3A_312 = vector.broadcast %parallel_loop3A_311 : i32 to vector<16xi32>
      %parallel_loop3A_313 = arith.addi %parallel_loop3A_286, %parallel_loop3A_312 : vector<16xi32>
      %parallel_loop3A_314 = arith.constant 128 : i32
      %parallel_loop3A_315 = vector.broadcast %parallel_loop3A_314 : i32 to vector<16xi32>
      %parallel_loop3A_316 = arith.addi %parallel_loop3A_286, %parallel_loop3A_315 : vector<16xi32>
      %parallel_loop3A_317 = tpu.vector_load_idx %arg9[%parallel_loop3A_282, %parallel_loop3A_284] : memref<192x64xf32, #tpu.memory_space<vmem>>[vector<16xi32>, vector<16xi32>], vector<16xf32>,
      %parallel_loop3A_318 = tpu.vector_load_idx %arg9[%parallel_loop3A_307, %parallel_loop3A_284] : memref<192x64xf32, #tpu.memory_space<vmem>>[vector<16xi32>, vector<16xi32>], vector<16xf32>,
      %parallel_loop3A_319 = tpu.vector_load_idx %arg9[%parallel_loop3A_310, %parallel_loop3A_284] : memref<192x64xf32, #tpu.memory_space<vmem>>[vector<16xi32>, vector<16xi32>], vector<16xf32>,
      %parallel_loop3A_320 = tpu.vector_load_idx %arg9[%parallel_loop3A_282, %parallel_loop3A_288] : memref<192x64xf32, #tpu.memory_space<vmem>>[vector<16xi32>, vector<16xi32>], vector<16xf32>,
      %parallel_loop3A_321 = tpu.vector_load_idx %arg9[%parallel_loop3A_307, %parallel_loop3A_288] : memref<192x64xf32, #tpu.memory_space<vmem>>[vector<16xi32>, vector<16xi32>], vector<16xf32>,
      %parallel_loop3A_322 = tpu.vector_load_idx %arg9[%parallel_loop3A_310, %parallel_loop3A_288] : memref<192x64xf32, #tpu.memory_space<vmem>>[vector<16xi32>, vector<16xi32>], vector<16xf32>,
      %parallel_loop3A_323 = tpu.vector_load_idx %arg9[%parallel_loop3A_286, %parallel_loop3A_284] : memref<192x64xf32, #tpu.memory_space<vmem>>[vector<16xi32>, vector<16xi32>], vector<16xf32>,
      %parallel_loop3A_324 = tpu.vector_load_idx %arg9[%parallel_loop3A_313, %parallel_loop3A_284] : memref<192x64xf32, #tpu.memory_space<vmem>>[vector<16xi32>, vector<16xi32>], vector<16xf32>,
      %parallel_loop3A_325 = tpu.vector_load_idx %arg9[%parallel_loop3A_316, %parallel_loop3A_284] : memref<192x64xf32, #tpu.memory_space<vmem>>[vector<16xi32>, vector<16xi32>], vector<16xf32>,
      %parallel_loop3A_326 = tpu.vector_load_idx %arg9[%parallel_loop3A_286, %parallel_loop3A_288] : memref<192x64xf32, #tpu.memory_space<vmem>>[vector<16xi32>, vector<16xi32>], vector<16xf32>,
      %parallel_loop3A_327 = tpu.vector_load_idx %arg9[%parallel_loop3A_313, %parallel_loop3A_288] : memref<192x64xf32, #tpu.memory_space<vmem>>[vector<16xi32>, vector<16xi32>], vector<16xf32>,
      %parallel_loop3A_328 = tpu.vector_load_idx %arg9[%parallel_loop3A_316, %parallel_loop3A_288] : memref<192x64xf32, #tpu.memory_space<vmem>>[vector<16xi32>, vector<16xi32>], vector<16xf32>,
      %parallel_loop3A_329 = arith.constant 2 : i32
      %parallel_loop3A_330 = arith.shrsi %parallel_loop3A_278, %parallel_loop3A_329 : i32
      %parallel_loop3A_331 = arith.constant 128 : i32
      %parallel_loop3A_332 = arith.muli %parallel_loop3A_330, %parallel_loop3A_331 : i32
      %parallel_loop3A_333 = arith.constant 3 : i32
      %parallel_loop3A_334 = arith.andi %parallel_loop3A_278, %parallel_loop3A_333 : i32
      %parallel_loop3A_335 = arith.constant 4 : i32
      %parallel_loop3A_336 = arith.shli %parallel_loop3A_334, %parallel_loop3A_335 : i32
      %parallel_loop3A_337 = arith.addi %parallel_loop3A_332, %parallel_loop3A_336 : i32
      %parallel_loop3A_338 = arith.mulf %parallel_loop3A_296, %parallel_loop3A_317 : vector<16xf32>
      %parallel_loop3A_339 = arith.mulf %parallel_loop3A_299, %parallel_loop3A_320 : vector<16xf32>
      %parallel_loop3A_340 = arith.addf %parallel_loop3A_338, %parallel_loop3A_339 : vector<16xf32>
      %parallel_loop3A_341 = arith.mulf %parallel_loop3A_302, %parallel_loop3A_323 : vector<16xf32>
      %parallel_loop3A_342 = arith.addf %parallel_loop3A_340, %parallel_loop3A_341 : vector<16xf32>
      %parallel_loop3A_343 = arith.mulf %parallel_loop3A_304, %parallel_loop3A_326 : vector<16xf32>
      %parallel_loop3A_344 = arith.addf %parallel_loop3A_342, %parallel_loop3A_343 : vector<16xf32>
      %parallel_loop3A_345 = arith.index_cast %parallel_loop3A_337 : i32 to index
      %parallel_loop3A_346 = tpu.vector_load %arg25[%parallel_loop3A_345] {strides = array<i32>} : memref<2048xf32, #tpu.memory_space<vmem>>, vector<16xf32>,
      tpu.vector_store %arg25[%parallel_loop3A_345], %parallel_loop3A_344 {strides = array<i32>} : memref<2048xf32, #tpu.memory_space<vmem>>, vector<16xf32>,
      %parallel_loop3A_347 = arith.mulf %parallel_loop3A_296, %parallel_loop3A_318 : vector<16xf32>
      %parallel_loop3A_348 = arith.mulf %parallel_loop3A_299, %parallel_loop3A_321 : vector<16xf32>
      %parallel_loop3A_349 = arith.addf %parallel_loop3A_347, %parallel_loop3A_348 : vector<16xf32>
      %parallel_loop3A_350 = arith.mulf %parallel_loop3A_302, %parallel_loop3A_324 : vector<16xf32>
      %parallel_loop3A_351 = arith.addf %parallel_loop3A_349, %parallel_loop3A_350 : vector<16xf32>
      %parallel_loop3A_352 = arith.mulf %parallel_loop3A_304, %parallel_loop3A_327 : vector<16xf32>
      %parallel_loop3A_353 = arith.addf %parallel_loop3A_351, %parallel_loop3A_352 : vector<16xf32>
      %parallel_loop3A_354 = arith.index_cast %parallel_loop3A_337 : i32 to index
      %parallel_loop3A_355 = tpu.vector_load %arg26[%parallel_loop3A_354] {strides = array<i32>} : memref<2048xf32, #tpu.memory_space<vmem>>, vector<16xf32>,
      tpu.vector_store %arg26[%parallel_loop3A_354], %parallel_loop3A_353 {strides = array<i32>} : memref<2048xf32, #tpu.memory_space<vmem>>, vector<16xf32>,
      %parallel_loop3A_356 = arith.mulf %parallel_loop3A_296, %parallel_loop3A_319 : vector<16xf32>
      %parallel_loop3A_357 = arith.mulf %parallel_loop3A_299, %parallel_loop3A_322 : vector<16xf32>
      %parallel_loop3A_358 = arith.addf %parallel_loop3A_356, %parallel_loop3A_357 : vector<16xf32>
      %parallel_loop3A_359 = arith.mulf %parallel_loop3A_302, %parallel_loop3A_325 : vector<16xf32>
      %parallel_loop3A_360 = arith.addf %parallel_loop3A_358, %parallel_loop3A_359 : vector<16xf32>
      %parallel_loop3A_361 = arith.mulf %parallel_loop3A_304, %parallel_loop3A_328 : vector<16xf32>
      %parallel_loop3A_362 = arith.addf %parallel_loop3A_360, %parallel_loop3A_361 : vector<16xf32>
      %parallel_loop3A_363 = arith.index_cast %parallel_loop3A_337 : i32 to index
      %parallel_loop3A_364 = tpu.vector_load %arg27[%parallel_loop3A_363] {strides = array<i32>} : memref<2048xf32, #tpu.memory_space<vmem>>, vector<16xf32>,
      tpu.vector_store %arg27[%parallel_loop3A_363], %parallel_loop3A_362 {strides = array<i32>} : memref<2048xf32, #tpu.memory_space<vmem>>, vector<16xf32>,
    } {sc.loop_unroll_factor = 1 : i64, sc.parallel_access}
    %jit3A_194 = arith.constant 4 : i32
    %eq3A_195 = arith.constant 0 : i32
    %eq3A_196 = arith.cmpi eq, %jit3A_194, %eq3A_195 : i32
    %jit3A_197 = arith.constant 1 : i32
    %select_n3A_198 = arith.select %eq3A_196, %jit3A_197, %jit3A_194 : i32
    %rem3A_199 = arith.remsi %add3A, %select_n3A_198 : i32
    %ne3A_200 = arith.constant 0 : i32
    %ne3A_201 = arith.cmpi ne, %rem3A_199, %ne3A_200 : i32
    %lt3A_202 = arith.constant 0 : i32
    %lt3A_203 = arith.cmpi slt, %rem3A_199, %lt3A_202 : i32
    %lt3A_204 = arith.constant 0 : i32
    %lt3A_205 = arith.cmpi slt, %select_n3A_198, %lt3A_204 : i32
    %ne3A_206 = arith.xori %lt3A_203, %lt3A_205 : i1
    %and3A_207 = arith.andi %ne3A_206, %ne3A_201 : i1
    %add3A_208 = arith.addi %rem3A_199, %select_n3A_198 : i32
    %select_n3A_209 = arith.select %and3A_207, %add3A_208, %rem3A_199 : i32
    %mul3A_210 = arith.constant 2048 : i32
    %mul3A_211 = arith.muli %select_n3A_209, %mul3A_210 : i32
    %mul3A_212 = arith.constant 3 : i32
    %mul3A_213 = arith.muli %select_n3A, %mul3A_212 : i32
    %add3A_214 = arith.constant 0 : i32
    %add3A_215 = arith.addi %mul3A_213, %add3A_214 : i32
    %mul3A_216 = arith.constant 8192 : i32
    %mul3A_217 = arith.muli %add3A_215, %mul3A_216 : i32
    %add3A_218 = arith.addi %mul3A_217, %mul3A_211 : i32
    %dma_start3A_219 = tpu.memref_slice %arg5[%add3A_218] : memref<196608xf32, #tpu.memory_space<hbm>> -> memref<2048xf32, #tpu.memory_space<hbm>>
    %dma_start3A_220 = tpu.memref_slice %arg5[%add3A_218] : memref<196608xf32, #tpu.memory_space<hbm>> -> memref<2048xf32, #tpu.memory_space<hbm>>
    tpu.enqueue_dma source(%arg22 : memref<2048xf32, #tpu.memory_space<vmem>>) target(%dma_start3A_220 : memref<2048xf32, #tpu.memory_space<hbm>>) target_semaphore(%arg28 : memref<!tpu.dma_semaphore, #tpu.memory_space<semaphore_mem>>)
    %mul3A_221 = arith.constant 3 : i32
    %mul3A_222 = arith.muli %select_n3A, %mul3A_221 : i32
    %add3A_223 = arith.constant 1 : i32
    %add3A_224 = arith.addi %mul3A_222, %add3A_223 : i32
    %mul3A_225 = arith.constant 8192 : i32
    %mul3A_226 = arith.muli %add3A_224, %mul3A_225 : i32
    %add3A_227 = arith.addi %mul3A_226, %mul3A_211 : i32
    %dma_start3A_228 = tpu.memref_slice %arg5[%add3A_227] : memref<196608xf32, #tpu.memory_space<hbm>> -> memref<2048xf32, #tpu.memory_space<hbm>>
    %dma_start3A_229 = tpu.memref_slice %arg5[%add3A_227] : memref<196608xf32, #tpu.memory_space<hbm>> -> memref<2048xf32, #tpu.memory_space<hbm>>
    tpu.enqueue_dma source(%arg23 : memref<2048xf32, #tpu.memory_space<vmem>>) target(%dma_start3A_229 : memref<2048xf32, #tpu.memory_space<hbm>>) target_semaphore(%arg29 : memref<!tpu.dma_semaphore, #tpu.memory_space<semaphore_mem>>)
    %mul3A_230 = arith.constant 3 : i32
    %mul3A_231 = arith.muli %select_n3A, %mul3A_230 : i32
    %add3A_232 = arith.constant 2 : i32
    %add3A_233 = arith.addi %mul3A_231, %add3A_232 : i32
    %mul3A_234 = arith.constant 8192 : i32
    %mul3A_235 = arith.muli %add3A_233, %mul3A_234 : i32
    %add3A_236 = arith.addi %mul3A_235, %mul3A_211 : i32
    %dma_start3A_237 = tpu.memref_slice %arg5[%add3A_236] : memref<196608xf32, #tpu.memory_space<hbm>> -> memref<2048xf32, #tpu.memory_space<hbm>>
    %dma_start3A_238 = tpu.memref_slice %arg5[%add3A_236] : memref<196608xf32, #tpu.memory_space<hbm>> -> memref<2048xf32, #tpu.memory_space<hbm>>
    tpu.enqueue_dma source(%arg24 : memref<2048xf32, #tpu.memory_space<vmem>>) target(%dma_start3A_238 : memref<2048xf32, #tpu.memory_space<hbm>>) target_semaphore(%arg30 : memref<!tpu.dma_semaphore, #tpu.memory_space<semaphore_mem>>)
    %mul3A_239 = arith.constant 3 : i32
    %mul3A_240 = arith.muli %select_n3A, %mul3A_239 : i32
    %add3A_241 = arith.constant 0 : i32
    %add3A_242 = arith.addi %mul3A_240, %add3A_241 : i32
    %mul3A_243 = arith.constant 8192 : i32
    %mul3A_244 = arith.muli %add3A_242, %mul3A_243 : i32
    %add3A_245 = arith.addi %mul3A_244, %mul3A_211 : i32
    %dma_start3A_246 = tpu.memref_slice %arg6[%add3A_245] : memref<196608xf32, #tpu.memory_space<hbm>> -> memref<2048xf32, #tpu.memory_space<hbm>>
    %dma_start3A_247 = tpu.memref_slice %arg6[%add3A_245] : memref<196608xf32, #tpu.memory_space<hbm>> -> memref<2048xf32, #tpu.memory_space<hbm>>
    tpu.enqueue_dma source(%arg25 : memref<2048xf32, #tpu.memory_space<vmem>>) target(%dma_start3A_247 : memref<2048xf32, #tpu.memory_space<hbm>>) target_semaphore(%arg31 : memref<!tpu.dma_semaphore, #tpu.memory_space<semaphore_mem>>)
    %mul3A_248 = arith.constant 3 : i32
    %mul3A_249 = arith.muli %select_n3A, %mul3A_248 : i32
    %add3A_250 = arith.constant 1 : i32
    %add3A_251 = arith.addi %mul3A_249, %add3A_250 : i32
    %mul3A_252 = arith.constant 8192 : i32
    %mul3A_253 = arith.muli %add3A_251, %mul3A_252 : i32
    %add3A_254 = arith.addi %mul3A_253, %mul3A_211 : i32
    %dma_start3A_255 = tpu.memref_slice %arg6[%add3A_254] : memref<196608xf32, #tpu.memory_space<hbm>> -> memref<2048xf32, #tpu.memory_space<hbm>>
    %dma_start3A_256 = tpu.memref_slice %arg6[%add3A_254] : memref<196608xf32, #tpu.memory_space<hbm>> -> memref<2048xf32, #tpu.memory_space<hbm>>
    tpu.enqueue_dma source(%arg26 : memref<2048xf32, #tpu.memory_space<vmem>>) target(%dma_start3A_256 : memref<2048xf32, #tpu.memory_space<hbm>>) target_semaphore(%arg28 : memref<!tpu.dma_semaphore, #tpu.memory_space<semaphore_mem>>)
    %mul3A_257 = arith.constant 3 : i32
    %mul3A_258 = arith.muli %select_n3A, %mul3A_257 : i32
    %add3A_259 = arith.constant 2 : i32
    %add3A_260 = arith.addi %mul3A_258, %add3A_259 : i32
    %mul3A_261 = arith.constant 8192 : i32
    %mul3A_262 = arith.muli %add3A_260, %mul3A_261 : i32
    %add3A_263 = arith.addi %mul3A_262, %mul3A_211 : i32
    %dma_start3A_264 = tpu.memref_slice %arg6[%add3A_263] : memref<196608xf32, #tpu.memory_space<hbm>> -> memref<2048xf32, #tpu.memory_space<hbm>>
    %dma_start3A_265 = tpu.memref_slice %arg6[%add3A_263] : memref<196608xf32, #tpu.memory_space<hbm>> -> memref<2048xf32, #tpu.memory_space<hbm>>
    tpu.enqueue_dma source(%arg27 : memref<2048xf32, #tpu.memory_space<vmem>>) target(%dma_start3A_265 : memref<2048xf32, #tpu.memory_space<hbm>>) target_semaphore(%arg29 : memref<!tpu.dma_semaphore, #tpu.memory_space<semaphore_mem>>)
    %dma_wait3A_266 = tpu.memref_slice %arg5[%add3A_218] : memref<196608xf32, #tpu.memory_space<hbm>> -> memref<2048xf32, #tpu.memory_space<hbm>>
    %dma_wait3A_267 = tpu.memref_slice %arg5[%add3A_218] : memref<196608xf32, #tpu.memory_space<hbm>> -> memref<2048xf32, #tpu.memory_space<hbm>>
    tpu.wait_dma2 semaphore(%arg28 : memref<!tpu.dma_semaphore, #tpu.memory_space<semaphore_mem>>) src(%arg22 : memref<2048xf32, #tpu.memory_space<vmem>>) dst(%dma_wait3A_267 : memref<2048xf32, #tpu.memory_space<hbm>>)
    %dma_wait3A_268 = tpu.memref_slice %arg5[%add3A_227] : memref<196608xf32, #tpu.memory_space<hbm>> -> memref<2048xf32, #tpu.memory_space<hbm>>
    %dma_wait3A_269 = tpu.memref_slice %arg5[%add3A_227] : memref<196608xf32, #tpu.memory_space<hbm>> -> memref<2048xf32, #tpu.memory_space<hbm>>
    tpu.wait_dma2 semaphore(%arg29 : memref<!tpu.dma_semaphore, #tpu.memory_space<semaphore_mem>>) src(%arg23 : memref<2048xf32, #tpu.memory_space<vmem>>) dst(%dma_wait3A_269 : memref<2048xf32, #tpu.memory_space<hbm>>)
    %dma_wait3A_270 = tpu.memref_slice %arg5[%add3A_236] : memref<196608xf32, #tpu.memory_space<hbm>> -> memref<2048xf32, #tpu.memory_space<hbm>>
    %dma_wait3A_271 = tpu.memref_slice %arg5[%add3A_236] : memref<196608xf32, #tpu.memory_space<hbm>> -> memref<2048xf32, #tpu.memory_space<hbm>>
    tpu.wait_dma2 semaphore(%arg30 : memref<!tpu.dma_semaphore, #tpu.memory_space<semaphore_mem>>) src(%arg24 : memref<2048xf32, #tpu.memory_space<vmem>>) dst(%dma_wait3A_271 : memref<2048xf32, #tpu.memory_space<hbm>>)
    %dma_wait3A_272 = tpu.memref_slice %arg6[%add3A_245] : memref<196608xf32, #tpu.memory_space<hbm>> -> memref<2048xf32, #tpu.memory_space<hbm>>
    %dma_wait3A_273 = tpu.memref_slice %arg6[%add3A_245] : memref<196608xf32, #tpu.memory_space<hbm>> -> memref<2048xf32, #tpu.memory_space<hbm>>
    tpu.wait_dma2 semaphore(%arg31 : memref<!tpu.dma_semaphore, #tpu.memory_space<semaphore_mem>>) src(%arg25 : memref<2048xf32, #tpu.memory_space<vmem>>) dst(%dma_wait3A_273 : memref<2048xf32, #tpu.memory_space<hbm>>)
    %dma_wait3A_274 = tpu.memref_slice %arg6[%add3A_254] : memref<196608xf32, #tpu.memory_space<hbm>> -> memref<2048xf32, #tpu.memory_space<hbm>>
    %dma_wait3A_275 = tpu.memref_slice %arg6[%add3A_254] : memref<196608xf32, #tpu.memory_space<hbm>> -> memref<2048xf32, #tpu.memory_space<hbm>>
    tpu.wait_dma2 semaphore(%arg28 : memref<!tpu.dma_semaphore, #tpu.memory_space<semaphore_mem>>) src(%arg26 : memref<2048xf32, #tpu.memory_space<vmem>>) dst(%dma_wait3A_275 : memref<2048xf32, #tpu.memory_space<hbm>>)
    %dma_wait3A_276 = tpu.memref_slice %arg6[%add3A_263] : memref<196608xf32, #tpu.memory_space<hbm>> -> memref<2048xf32, #tpu.memory_space<hbm>>
    %dma_wait3A_277 = tpu.memref_slice %arg6[%add3A_263] : memref<196608xf32, #tpu.memory_space<hbm>> -> memref<2048xf32, #tpu.memory_space<hbm>>
    tpu.wait_dma2 semaphore(%arg29 : memref<!tpu.dma_semaphore, #tpu.memory_space<semaphore_mem>>) src(%arg27 : memref<2048xf32, #tpu.memory_space<vmem>>) dst(%dma_wait3A_277 : memref<2048xf32, #tpu.memory_space<hbm>>)
    return
  }
}

</mosaic_0001>

<sc_bundles>
// kernel: kernel.3.cloned.1.call-start
scs
__scs_entry_jumppad:
0x0: {  	(pc) =	sbr.rel $0x88, $3  }
0x1: {  	(tag) =	ssettag $0x0;
	lr =	simm.s32 $0x1  }
0x2: {  	[smem:$0x3F9E] =	sst lr;
	_ =	strace $0xD0000000  }
0x3: {  	_ = 	snop  }
0x4: {  	_ = 	snop  }
0x5: {  	_ = 	snop  }
0x6: {  	_ = 	snop  }
0x7: {  	_ = 	snop  }
__scs_overlays_trampoline_lowered:
0x8: {  	[smem:$0x3FAD] =	sst s0  }
0x9: {  	[smem:$0x3FAE] =	sst s1  }
0xa: {  	[smem:$0x3FAF] =	sst s2  }
0xb: {  	[smem:$0x3FB0] =	sst s3  }
0xc: {  	[smem:$0x3FB1] =	sst s4  }
0xd: {  	[smem:$0x3FB2] =	sst s5  }
0xe: {  	[smem:$0x3FB3] =	sst s6  }
0xf: {  	[smem:$0x3FB4] =	sst s7  }
0x10: {  	[smem:$0x3FB5] =	sst s8  }
0x11: {  	[smem:$0x3FB6] =	sst s9;
	s0 =	simm.s32 @!p0 $0x0  }
0x12: {  	s1 =	sld [smem:$0x3F9C];
	s0 =	simm.s32 @p0 $0x1  }
0x13: {  	[smem:$0x3FB7] =	sst s0;
	s0 =	simm.s32 @!p1 $0x0  }
0x14: {  	s2 =	sld [smem:$0x3F9B];
	s0 =	simm.s32 @p1 $0x1  }
0x15: {  	[smem:$0x3FB8] =	sst s0;
	s0 =	simm.s32 @!p2 $0x0  }
0x16: {  	s3 =	sld [smem:$0x3FDB];
	s0 =	simm.s32 @p2 $0x1  }
0x17: {  	s4 =	simm.s32 $0x1BF5;
	[smem:$0x3FBA] =	sst s0  }
0x18: {  	s0 =	sld [smem:$0x3F9D];
	_ =	swait.ge [sflag:s4], $0x0  }
0x19: {  	s7 =	sld [smem:$0x3F9E]  }
0x1a: {  	s8 =	sadd.s32 $0xFFFFE003, lr  }
0x1b: {  	s9 =	sadd.s32 $0xFFFFFEF7, lr;
	s5 =	simm.s32 $0xFFFFFFFF;
	p2 =	slt.u32 s8, $0xFFFFF086  }
0x1c: {  	p1 =	slt.u32 s9, $0xF7A;
	s5 =	simm.s32 @!p2 $0x0  }
0x1d: {  	s5 =	simm.s32 @p1 $0x1;
	p0 =	seq.s32 s7, s2  }
0x1e: {  	s7 =	smul.u32 @!p0 $0xF7A, s2;
	p2 =	seq.s32 @!p0 s5, $0x0  }
0x1f: {  	s9 =	smul.u32 $0xF7A, s1;
	s8 =	simm.s32 @!p0 $0x1BF5;
	p2 =	por !p2, p0  }
0x20: {  	[sflag:s8] =	ssyncset.s32 @!p0 $0xFFFFF086;
	s6 =	sadd.s32 @!p0 s3, s7;
	s7 =	simm.s32 @!p0 $0x108  }
0x21: {  	s3 =	sadd.s32 s3, s9;
	s6 =	sadd.s32 @!p0 $0x88, s6;
	s7 =	simm.s32 @p2 $0x1082  }
0x22: {  	[simem:s7], [sflag:s8] =	dma.local @!p0 [hbm:s6], $0xF7A  }
0x23: {  	s9 =	sor.u32 $0xD0000000, s2;
	s6 =	simm.s32 $0x108;
	_ =	swait.ge @!p0 [sflag:s8], $0x0  }
0x24: {  	s3 =	sadd.s32 $0x88, s3;
	s6 =	simm.s32 @!p1 $0x1082;
	[sflag:s4] =	ssyncset.s32 $0xFFFFF086  }
0x25: {  	[simem:s6], [sflag:s4] =	dma.local [hbm:s3], $0xF7A  }
0x26: {  	[smem:$0x3F9E] =	sst s1;
	(tag) =	ssettag s2;
	_ =	strace s9  }
0x27: {  	s1 =	sld [smem:$0x3FAE]  }
0x28: {  	s2 =	sld [smem:$0x3FAF]  }
0x29: {  	s4 =	sld [smem:$0x3FB1]  }
0x2a: {  	p0 =	seq.s32 s5, $0x0;
	s5 =	sld [smem:$0x3FB2]  }
0x2b: {  	s6 =	sld [smem:$0x3FB3]  }
0x2c: {  	s7 =	sld [smem:$0x3FB4]  }
0x2d: {  	s3 =	simm.s32 $0x108;
	s8 =	sld [smem:$0x3FB5]  }
0x2e: {  	s3 =	simm.s32 @!p0 $0x1082;
	s9 =	sld [smem:$0x3FB6]  }
0x2f: {  	lr =	sadd.s32 s0, s3;
	s0 =	sld [smem:$0x3FAD]  }
0x30: {  	s3 =	sld [smem:$0x3FB0]  }
0x31: {  	[smem:$0x3FB9] =	sst s10  }
0x32: {  	s10 =	sld [smem:$0x3FB7];
	_ =	sdelay $0x3  }
0x33: {  	p0 =	seq.s32 s10, $0x1;
	s10 =	sld [smem:$0x3FB9];
	_ =	sdelay $0x3  }
0x34: {  	[smem:$0x3FB9] =	sst s10  }
0x35: {  	s10 =	sld [smem:$0x3FB8];
	_ =	sdelay $0x3  }
0x36: {  	p1 =	seq.s32 s10, $0x1;
	s10 =	sld [smem:$0x3FB9];
	_ =	sdelay $0x3  }
0x37: {  	[smem:$0x3FB9] =	sst s10  }
0x38: {  	s10 =	sld [smem:$0x3FBA]  }
0x39: {  	_ = 	snop;
	(pc) =	sbr.ind lr, $3  }
0x3a: {  	_ = 	snop  }
0x3b: {  	_ = 	snop  }
0x3c: {  	p2 =	seq.s32 s10, $0x1;
	s10 =	sld [smem:$0x3FB9]  }
0x3d: {  	_ =	shalt  }
0x3e: {  	_ =	shalt  }
0x3f: {  	_ =	shalt  }
0x40: {  	_ =	shalt  }
0x41: {  	_ =	shalt  }
0x42: {  	_ =	shalt  }
0x43: {  	_ =	shalt  }
0x44: {  	_ =	shalt  }
0x45: {  	_ =	shalt  }
0x46: {  	_ =	shalt  }
0x47: {  	_ =	shalt  }
0x48: {  	_ =	shalt  }
0x49: {  	_ =	shalt  }
0x4a: {  	_ =	shalt  }
0x4b: {  	_ =	shalt  }
0x4c: {  	_ =	shalt  }
0x4d: {  	_ =	shalt  }
0x4e: {  	_ =	shalt  }
0x4f: {  	_ =	shalt  }
0x50: {  	_ =	shalt  }
0x51: {  	_ =	shalt  }
0x52: {  	_ =	shalt  }
0x53: {  	_ =	shalt  }
0x54: {  	_ =	shalt  }
0x55: {  	_ =	shalt  }
0x56: {  	_ =	shalt  }
0x57: {  	_ =	shalt  }
0x58: {  	_ =	shalt  }
0x59: {  	_ =	shalt  }
0x5a: {  	_ =	shalt  }
0x5b: {  	_ =	shalt  }
0x5c: {  	_ =	shalt  }
0x5d: {  	_ =	shalt  }
0x5e: {  	_ =	shalt  }
0x5f: {  	_ =	shalt  }
0x60: {  	_ =	shalt  }
0x61: {  	_ =	shalt  }
0x62: {  	_ =	shalt  }
0x63: {  	_ =	shalt  }
0x64: {  	_ =	shalt  }
0x65: {  	_ =	shalt  }
0x66: {  	_ =	shalt  }
0x67: {  	_ =	shalt  }
0x68: {  	_ =	shalt  }
0x69: {  	_ =	shalt  }
0x6a: {  	_ =	shalt  }
0x6b: {  	_ =	shalt  }
0x6c: {  	_ =	shalt  }
0x6d: {  	_ =	shalt  }
0x6e: {  	_ =	shalt  }
0x6f: {  	_ =	shalt  }
0x70: {  	_ =	shalt  }
0x71: {  	_ =	shalt  }
0x72: {  	_ =	shalt  }
0x73: {  	_ =	shalt  }
0x74: {  	_ =	shalt  }
0x75: {  	_ =	shalt  }
0x76: {  	_ =	shalt  }
0x77: {  	_ =	shalt  }
0x78: {  	_ =	shalt  }
0x79: {  	_ =	shalt  }
0x7a: {  	_ =	shalt  }
0x7b: {  	_ =	shalt  }
0x7c: {  	_ =	shalt  }
0x7d: {  	_ =	shalt  }
0x7e: {  	_ =	shalt  }
0x7f: {  	_ =	shalt  }
0x80: {  	_ =	shalt  }
0x81: {  	_ =	shalt  }
0x82: {  	_ =	shalt  }
0x83: {  	_ =	shalt  }
0x84: {  	_ =	shalt  }
0x85: {  	_ =	shalt  }
0x86: {  	_ =	shalt  }
0x87: {  	_ =	shalt  }
.Lfunc_end0:
.L_simem_size_0:
called_computation_lowered:
.L_overlay_start_0:
0x88: {  	s2 =	sld [smem:$0x3FD9]  }
0x89: {  	s3 =	sld [smem:$0x3FFE];
	_ =	sdelay $0x1  }
0x8a: {  	s1 =	srdreg.scid  }
0x8b: {  	s0 =	sand.u32 $0x1, s1  }
0x8c: {  	s15 =	sshll.u32 s0, $0xA;
	s2 =	sadd.s32 s3, s2  }
0x8d: {  	s2 =	sadd.s32 s2, s15  }
0x8e: {  	[smem:$0x3FC5] =	sst s2  }
0x8f: {  	_ = 	snop  }
0x90: {  	s2 =	sld [smem:$0x3FD0]  }
0x91: {  	s16 =	sld [smem:$0x3FC9]  }
0x92: {  	s4 =	sld [smem:$0x3FC8]  }
0x93: {  	s6 =	simm.s32 $0xA;
	s7 =	simm.s32 $0x10;
	s5 =	sld [smem:$0x3FC7]  }
0x94: {  	[smem:s7], [sflag:s6] =	dma.local [hbm:s2], $0x1  }
0x95: {  	_ =	swait.eq [sflag:s6], $0x1  }
0x96: {  	[sflag:s6] =	ssyncset.done $0x0  }
0x97: {  	s17 =	sld [smem:$0x10];
	[sflag:s6] =	ssyncadd.s32 $0xFFFFFFFF  }
0x98: {  	s18 =	sld [smem:$0x11];
	(tm) =	ssettm $0x1  }
0x99: {  	s19 =	sld [smem:$0x3FFB];
	_ =	sdelay $0x3  }
0x9a: {  	_ =	strace s19  }
0x9b: {  	s7 =	sld [smem:$0x3FFC];
	_ =	sdelay $0x3  }
0x9c: {  	_ =	strace s7  }
0x9d: {  	s7 =	sld [smem:$0x3FFD];
	_ =	sdelay $0x3  }
0x9e: {  	_ =	strace s7  }
0x9f: {  	_ =	strace $0x8FFFFFFF  }
0xa0: {  	s20 =	sld [smem:$0x3FDB];
	_ =	sdelay $0x1  }
0xa1: {  	s8 =	simm.s32 $_scs_section_size  }
0xa2: {  	s9 =	simm.s32 $_size__tile_overlayer_lowered;
	s10 =	simm.s32 $_tile_overlayer_lowered  }
0xa3: {  	s23 =	simm.s32 $0x1BFF;
	s22 =	sshll.u32 s10, $0x1;
	s7 =	sadd.s32 s8, s20  }
0xa4: {  	s11 =	simm.s32 $0x0;
	s21 =	sshll.u32 s9, $0x1;
	s9 =	sadd.s32 s22, s7  }
0xa5: {  	[timem:s11], [sflag:s23] =	dma.local [hbm:s9], s21  }
0xa6: {  	_ =	swait.ge [sflag:s23], s21  }
0xa7: {  	s8 =	ssub.s32 $0x0, s21;
	[sflag:s23] =	ssyncset.done $0x0  }
0xa8: {  	[sflag:s23] =	ssyncadd.s32 s8;
	_ =	sdelay $0x1  }
0xa9: {  	s24 =	simm.s32 $0x1B8B  }
0xaa: {  	_ =	swait.ge [sflag:s24], $0x1  }
0xab: {  	[sflag:s24] =	ssyncset.done $0x0  }
0xac: {  	s25 =	simm.s32 $0x1B8E;
	[sflag:s24] =	ssyncadd.s32 $0xFFFFFFFF  }
0xad: {  	s26 =	simm.s32 $execute0_lowered;
	[smem:$0x3FD2] =	sst s25  }
0xae: {  	s8 =	sshll.u32 s26, $0x1;
	_ =	strace $0x80000046;
	[dreg:$0x1] =	wrdreg $0xFFFFFFFF  }
0xaf: {  	s28 =	simm.s32 $_size_execute0_lowered;
	s7 =	sadd.s32 s7, s8;
	[dreg:$0x0] =	wrdreg $0x0  }
0xb0: {  	s8 =	sshll.u32 s28, $0x1;
	[dreg:$0x2] =	wrdreg s7  }
0xb1: {  	[dreg:$0x3] =	wrdreg s8  }
0xb2: {  	[dreg:$0x4] =	wrdreg $0xC0  }
0xb3: {  	_ =	task [dreg:s11], $0x5FFFF  }
0xb4: {  	[dreg:$0x1] =	wrdreg $0xFFFFFFFF  }
0xb5: {  	[dreg:$0x0] =	wrdreg $0x60  }
0xb6: {  	[dreg:$0x2] =	wrdreg s16  }
0xb7: {  	[dreg:$0x3] =	wrdreg s4  }
0xb8: {  	[dreg:$0x4] =	wrdreg s5  }
0xb9: {  	[dreg:$0x5] =	wrdreg s17  }
0xba: {  	[dreg:$0x6] =	wrdreg s18  }
0xbb: {  	[dreg:$0x7] =	wrdreg $0x9  }
0xbc: {  	_ =	task.clear_ibuf [dreg:s11], $0x8FFFF;
	_ =	strace $0x90000046  }
0xbd: {  	s29 =	simm.s32 $0x9;
	_ =	strace $0x80000048  }
0xbe: {  	_ =	swait.ge [sflag:s29], $0x1  }
0xbf: {  	[sflag:s29] =	ssyncadd.s32 $0xFFFFFFFF  }
0xc0: {  	_ =	strace $0x90000048  }
0xc1: {  	_ =	sfence  }
0xc2: {  	s30 =	sld [smem:$0x0];
	_ =	sdelay $0x2  }
0xc3: {  	s31 =	sshll.u32 s1, $0xD;
	s1 =	sshrl.u32 s1, $0x2  }
0xc4: {  	s3 =	sand.u32 $0x4000, s31;
	s1 =	sadd.s32 s1, s30  }
0xc5: {  	s0 =	sor.u32 s3, s0;
	s1 =	sshll.u32 s1, $0x11  }
0xc6: {  	s0 =	sor.u32 s1, s0  }
0xc7: {  	s0 =	sadd.s32 $0x8F2B, s0  }
0xc8: {  	[sflag:s0] =	ssyncadd.remote.s32 $0x1  }
0xc9: {  	_ =	sfence.sel $0xFFFF  }
0xca: {  	[dreg:$0x0] =	wrdreg $0xFFFFFFFF;
	(pc) =	sbr.abs _section_cstart, $3  }
0xcb: {  	[dreg:$0x1] =	wrdreg $0xFFFFFFFF  }
0xcc: {  	_ =	task.clear_ibuf [dreg:s11], $0x2FFFF;
	_ =	strace $0x9FFFFFFF  }
0xcd: {  	(tm) =	ssettm $0x7FFFFFFF  }
tec
execute0_lowered:
.L_overlay_start_1:
0x0: {  	(tag) =	ssettag $0x1  }
0x1: {  	s1 =	rddreg [dreg:$0x0]  }
0x2: {  	s0 =	rddreg [dreg:$0x1]  }
0x3: {  	s2 =	rddreg [dreg:$0x2];
	s13 =	stileid.u32  }
0x4: {  	s3 =	rddreg [dreg:$0x3];
	s4 =	srdreg.scid  }
0x5: {  	s6 =	rddreg [dreg:$0x4];
	s14 =	simm.s32 $0x0;
	s5 =	sshll.u32 s13, $0x1  }
0x6: {  	s4 =	sand.u32 $0x1, s4;
	s7 =	sshrl.u32 s13, $0x1;
	[smem:$0x7FF] =	sst s14  }
0x7: {  	s26 =	sand.u32 $0x1, s13;
	s5 =	sand.u32 $0x2, s5;
	s8 =	sshll.u32 s7, $0xE  }
0x8: {  	s9 =	ssub.s32 $0x2, s4;
	s10 =	smul.u32 $0x6000, s7;
	_ =	strace $0x80000047  }
0x9: {  	s29 =	sshll.u32 s7, $0x18;
	s5 =	sor.u32 s4, s5;
	s11 =	sshrl.u32 s9, $0x1  }
0xa: {  	v0 =	vimm.s32 $0x8380;
	vm0 =	vcmask $0x300;
	s30 =	sshll.u32 s4, $0x16;
	s5 =	sshll.u32 s5, $0xB;
	s17 =	ssub.s32 s9, s11  }
0xb: {  	vm14 =	vcmask $0x704;
	v0 =	vsel vm0, $0x0, v0;
	s18 =	sadd.s32 $0x2000, s10;
	s19 =	sshrl.u32 s10, $0x3;
	s12 =	sadd.s32 $0x4000, s10  }
0xc: {  	vm15 =	vcmask $0xB08;
	v0 =	vsel vm14, $0x80, v0;
	s11 =	simm.s32 $0x3;
	s8 =	sor.u32 s8, s5;
	s20 =	sshrl.u32 s18, $0x3  }
0xd: {  	vm4 =	vcmask $0xF0C;
	v0 =	vsel vm15, $0x100, v0;
	s9 =	sadd.s32 s2, s19;
	s22 =	sshrl.u32 s12, $0x3;
	s23 =	sor.u32 s10, s5  }
0xe: {  	vm5 =	vcmask $0x1310;
	v0 =	vsel vm4, $0x180, v0;
	s10 =	simm.s32 $0x2;
	[dreg:$0x8] =	wrdreg s9;
	s21 =	sadd.s32 s2, s20  }
0xf: {  	vm6 =	vcmask $0x1714;
	v0 =	vsel vm5, $0x200, v0;
	s8 =	sshrl.u32 s8, $0x3;
	s2 =	sadd.s32 s2, s22;
	[dreg:$0x9] =	wrdreg s21  }
0x10: {  	v1 =	vimm.f32 $2.000000000e+00;
	vm7 =	vcmask $0x1B18;
	v0 =	vsel vm6, $0x280, v0;
	s9 =	simm.s32 $0x1;
	s8 =	sadd.s32 s0, s8;
	[dreg:$0xa] =	wrdreg s2  }
0x11: {  	vm8 =	vcmask $0x1F1C;
	(erf) = vrcp.f32 v1;
	s2 =	sshrl.u32 s23, $0x3;
	v0 =	vsel vm7, $0x300, v0;
	s0 =	smax.u32 s17, $0x1;
	[dreg:$0x6] =	wrdreg s8  }
0x12: {  	vm9 =	vcmask $0x2320;
	s8 =	sadd.s32 $0x400, s8;
	s24 =	sadd.s32 s3, s2;
	v0 =	vsel vm8, $0x380, v0;
	[dreg:$0x11] =	wrdreg s0  }
0x13: {  	vm10 =	vcmask $0x2724;
	s2 =	sadd.s32 s6, s2;
	[dreg:$0x7] =	wrdreg s8;
	s8 =	sor.u32 s18, s5;
	v0 =	vsel vm9, $0x8000, v0  }
0x14: {  	vm11 =	vcmask $0x2B28;
	s5 =	sor.u32 s12, s5;
	[dreg:$0xb] =	wrdreg s24;
	s8 =	sshrl.u32 s8, $0x3;
	v0 =	vsel vm10, $0x8080, v0  }
0x15: {  	vm12 =	vcmask $0x2F2C;
	[dreg:$0xe] =	wrdreg s2;
	s5 =	sshrl.u32 s5, $0x3;
	s25 =	sadd.s32 s3, s8;
	v0 =	vsel vm11, $0x8100, v0  }
0x16: {  	vm13 =	vcmask $0x3330;
	s2 =	sshll.u32 s26, $0x17;
	s3 =	sadd.s32 s3, s5;
	[dreg:$0xc] =	wrdreg s25;
	v0 =	vsel vm12, $0x8180, v0  }
0x17: {  	s18 =	simm.s32 $0x1000;
	s28 =	sadd.s32 s6, s8;
	[dreg:$0xd] =	wrdreg s3;
	v0 =	vsel vm13, $0x8200, v0  }
0x18: {  	vm14 =	vcmask $0x3734;
	s2 =	sor.u32 s2, s29;
	s5 =	sadd.s32 s6, s5;
	[dreg:$0xf] =	wrdreg s28  }
0x19: {  	vm15 =	vcmask $0x3B38;
	s12 =	simm.s32 $0x4;
	s31 =	sor.u32 s2, s30;
	[dreg:$0x10] =	wrdreg s5;
	v1 =	vsel vm14, $0x8280, v0  }
0x1a: {  	s2 =	simm.s32 $0x0;
	[dreg:$0x12] =	wrdreg s31;
	s25 =	simm.s32 $0x80;
	v1 =	vsel vm15, $0x8300, v1;
	v0 =	vpop (erf)  }
.LBB2_1:
0x1b: {  	[dreg:$0x13] =	wrdreg s2  }
0x1c: {  	s0 =	rddreg [dreg:$0x6]  }
0x1d: {  	[tilespmem:s14], [sflag:$0x1] =	stream.linear.gather [hbm4b:s0+s14], $0x800, $0x38;
	[tilespmem:$0xD000] =	vst v63  }
0x1e: {  	s19 =	rddreg [dreg:$0x7];
	s20 =	simm.s32 $0x800  }
0x1f: {  	[tilespmem:s20], [sflag:$0x2] =	stream.linear.gather [hbm4b:s19+s14], $0x800, $0x38;
	[tilespmem:$0xD000] =	vst v63  }
0x20: {  	s21 =	rddreg [dreg:$0x8]  }
0x21: {  	[tilespmem:s18], [sflag:$0x3] =	stream.linear.gather [hbm4b:s21+s14], $0x2000, $0x38;
	[tilespmem:$0xD000] =	vst v63  }
0x22: {  	s22 =	rddreg [dreg:$0x9];
	s23 =	simm.s32 $0x3000  }
0x23: {  	[tilespmem:s23], [sflag:$0x4] =	stream.linear.gather [hbm4b:s22+s14], $0x2000, $0x38;
	[tilespmem:$0xD000] =	vst v63  }
0x24: {  	s24 =	rddreg [dreg:$0xa];
	s26 =	simm.s32 $0x5000  }
0x25: {  	[tilespmem:s26], [sflag:$0x3] =	stream.linear.gather [hbm4b:s24+s14], $0x2000, $0x38;
	[tilespmem:$0xD000] =	vst v63  }
0x26: {  	_ =	swait.ge [sflag:s9], $0x800  }
0x27: {  	[sflag:s9] =	ssyncset.done $0x0  }
0x28: {  	[sflag:s9] =	ssyncadd.s32 $0xFFFFF800  }
0x29: {  	_ =	swait.ge [sflag:s10], $0x800  }
0x2a: {  	[sflag:s10] =	ssyncset.done $0x0  }
0x2b: {  	[sflag:s10] =	ssyncadd.s32 $0xFFFFF800  }
0x2c: {  	_ =	swait.ge [sflag:s11], $0x2000  }
0x2d: {  	[sflag:s11] =	ssyncset.done $0x0  }
0x2e: {  	[sflag:s11] =	ssyncadd.s32 $0xFFFFE000  }
0x2f: {  	s17 =	simm.s32 $0x7000;
	_ =	swait.ge [sflag:s12], $0x2000  }
0x30: {  	s28 =	simm.s32 $0x8000;
	s29 =	simm.s32 $0x8400;
	[sflag:s12] =	ssyncset.done $0x0  }
0x31: {  	s30 =	simm.s32 $0x8800;
	s31 =	simm.s32 $0x8C00;
	[sflag:s12] =	ssyncadd.s32 $0xFFFFE000  }
0x32: {  	s2 =	simm.s32 $0x0;
	s6 =	simm.s32 $0x0;
	_ =	swait.ge [sflag:s11], $0x2000  }
0x33: {  	s19 =	simm.s32 $0x7400;
	s20 =	simm.s32 $0x7800;
	[sflag:s11] =	ssyncset.done $0x0  }
0x34: {  	s26 =	simm.s32 $0x7C00;
	s16 =	rddreg [dreg:$0x12];
	[sflag:s11] =	ssyncadd.s32 $0xFFFFE000  }
.LBB2_2:
0x35: {  	s0 =	simm.s32 $0x0  }
0x36: {  	s9 =	sshll.u32 s6, $0x8;
	s3 =	sand.u32 $0x80, s0  }
0x37: {  	s12 =	sand.u32 $0x30, s0;
	s14 =	sor.u32 s9, s3  }
0x38: {  	s0 =	sor.u32 s12, s14  }
0x39: {  	v2 =	vld [tilespmem:s0+$0x800];
	_ =	sdelay $0x2  }
0x3a: {  	v3 =	vld [tilespmem:s0+$0x0];
	_ =	sdelay $0x1  }
0x3b: {  	v2 =	vadd.f32 $1.000000000e+00, v2;
	_ =	sdelay $0x1  }
0x3c: {  	v2 =	vmul.f32 $6.300000000e+01, v2  }
0x3d: {  	v3 =	vadd.f32 $1.000000000e+00, v3  }
0x3e: {  	v10 =	vmul.f32 v2, v0  }
0x3f: {  	v2 =	vmul.f32 $6.300000000e+01, v3  }
0x40: {  	v9 =	vmov s17;
	v8 =	vmov s19;
	v3 =	vtrunc.f32 v10  }
0x41: {  	v7 =	vmov s20;
	v12 =	vmul.f32 v2, v0;
	v11 =	vcvt.f32.s32 v3  }
0x42: {  	v6 =	vmov s26;
	v5 =	vmov s28;
	v2 =	vmov s30  }
0x43: {  	v3 =	vmov s29;
	v13 =	vtrunc.f32 v12;
	v4 =	vadd.s32 $0x1, v11  }
0x44: {  	v15 =	vcvt.s32.f32 v11;
	v16 =	vcvt.f32.s32 v13;
	v13 =	vshll.u32 v11, $0x9  }
0x45: {  	v22 =	vshll.u32 v11, $0x6;
	v26 =	vshll.u32 v11, $0x7;
	vm0 =	vlt.s32 v4, $0x3F  }
0x46: {  	v13 =	vand.u32 $0xFFFFFC00, v13;
	v23 =	vand.u32 $0x40, v22;
	v29 =	vadd.s32 $0x4000, v26  }
0x47: {  	v28 =	vadd.s32 $0x2000, v26;
	v14 =	vnsel vm0, $0x3F, v4;
	v4 =	vmov s31  }
0x48: {  	v18 =	vadd.f32 $1.000000000e+00, v15;
	v20 =	vadd.s32 s16, v16;
	v15 =	vsub.f32 v10, v15  }
0x49: {  	v25 =	vand.u32 $0x7F, v16;
	v27 =	vand.u32 $0xFFFFFF80, v16;
	v30 =	vadd.s32 $0x1, v16  }
0x4a: {  	v17 =	vshll.u32 v14, $0x9;
	v19 =	vsub.s32 v14, v11;
	v21 =	vshll.u32 v14, $0x6  }
0x4b: {  	v24 =	vshll.u32 v14, $0x7;
	v20 =	vadd.s32 v1, v20;
	v22 =	vadd.s32 v27, v29  }
0x4c: {  	vm0 =	vlt.s32 v30, $0x3F;
	v21 =	vand.u32 $0x40, v21;
	v17 =	vand.u32 $0xFFFFFC00, v17  }
0x4d: {  	v10 =	vsub.f32 v18, v10;
	v18 =	vcvt.s32.f32 v16;
	v13 =	vadd.s32 v20, v13  }
0x4e: {  	v22 =	vor.u32 v25, v22;
	v32 =	vadd.s32 v27, v24;
	v19 =	vcvt.s32.f32 v19  }
0x4f: {  	s8 =	simm.s32 $0x20;
	v35 =	vadd.s32 $0x2000, v24;
	v17 =	vadd.s32 v20, v17;
	v20 =	vadd.s32 v27, v26  }
0x50: {  	s21 =	simm.s32 $0x10;
	s15 =	sand.u32 $0x80, s8;
	v33 =	vadd.s32 v23, v13;
	v32 =	vor.u32 v25, v32;
	v31 =	vadd.f32 $1.000000000e+00, v18  }
0x51: {  	s7 =	sand.u32 $0x30, s21;
	s0 =	sor.u32 s9, s15;
	v13 =	vor.u32 v25, v20;
	v20 =	vnsel vm0, $0x3F, v30;
	v17 =	vadd.s32 v21, v17  }
0x52: {  	s0 =	sor.u32 s7, s0;
	v21 =	vadd.s32 v27, v35;
	v34 =	vand.u32 $0xFFFFFF80, v20;
	v36 =	vsub.s32 v20, v16  }
0x53: {  	v38 =	vld [tilespmem:s0+$0x0];
	v37 =	vand.u32 $0x7F, v20;
	v42 =	vor.u32 v25, v21;
	v23 =	vsub.f32 v31, v12  }
0x54: {  	v30 =	vld [tilespmem:s0+$0x800];
	v12 =	vsub.f32 v12, v18;
	v18 =	vadd.s32 v27, v28;
	v39 =	vadd.s32 v34, v28  }
0x55: {  	v21 =	vadd.s32 v36, v33;
	v43 =	vadd.s32 v36, v17;
	v26 =	vadd.s32 v26, v34  }
0x56: {  	v41 =	vadd.s32 v34, v35;
	v28 =	vor.u32 v37, v26;
	v26 =	vadd.s32 $0x4000, v24  }
0x57: {  	v39 =	vor.u32 v37, v39;
	v31 =	vmul.f32 v23, v15;
	v40 =	vmul.f32 v10, v12  }
0x58: {  	s23 =	simm.s32 $0x0;
	v27 =	vadd.s32 v27, v26;
	v44 =	vmul.f32 v10, v23;
	v10 =	vadd.f32 $1.000000000e+00, v38  }
0x59: {  	[tilespmem:v9+s23+$0x0 ss:$0x1] =	vst.idx.msk $0xffff, v33;
	v26 =	vadd.s32 v34, v26;
	v35 =	vmul.f32 v15, v12;
	v30 =	vadd.f32 $1.000000000e+00, v30  }
0x5a: {  	[tilespmem:v8+s23+$0x0 ss:$0x1] =	vst.idx.msk $0xffff, v21;
	v12 =	vadd.s32 v34, v29;
	v29 =	vcvt.s32.f32 v36;
	v10 =	vmul.f32 $6.300000000e+01, v10  }
0x5b: {  	v38 =	vor.u32 v37, v41;
	[tilespmem:v7+s23+$0x0 ss:$0x1] =	vst.idx.msk $0xffff, v17;
	v23 =	vmul.f32 v19, v40;
	v30 =	vmul.f32 $6.300000000e+01, v30  }
0x5c: {  	[tilespmem:v6+s23+$0x0 ss:$0x1] =	vst.idx.msk $0xffff, v43;
	v46 =	vmul.f32 v29, v31;
	v58 =	vmul.f32 v10, v0  }
0x5d: {  	[tilespmem:v5+s23+$0x0 ss:$0x1] =	vst.idx.msk $0xffff, v11;
	v10 =	vadd.s32 v34, v24;
	v30 =	vmul.f32 v30, v0  }
0x5e: {  	v19 =	vmul.f32 v19, v29;
	[tilespmem:v3+s23+$0x0 ss:$0x1] =	vst.idx.msk $0xffff, v16;
	v31 =	vor.u32 v37, v10;
	v10 =	vtrunc.f32 v58  }
0x5f: {  	v27 =	vor.u32 v25, v27;
	[tilespmem:v2+s23+$0x0 ss:$0x1] =	vst.idx.msk $0xffff, v14;
	v15 =	vtrunc.f32 v30;
	v41 =	vcvt.f32.s32 v10  }
0x60: {  	s22 =	sadd.s32 $0x10000, s16;
	v45 =	vor.u32 v37, v12;
	v24 =	vor.u32 v37, v26;
	[tilespmem:v4+s23+$0x0 ss:$0x1] =	vst.idx.msk $0xffff, v20;
	v40 =	vcvt.f32.s32 v15  }
0x61: {  	v34 =	vor.u32 v25, v18;
	v55 =	vmul.f32 v19, v44;
	v28 =	vld.idx.msk [tilespmem:v28+s18+$0x0], $0xffff;
	v59 =	vadd.s32 s22, v41  }
0x62: {  	v37 =	vand.u32 $0xFFFFFF80, v41;
	v54 =	vadd.s32 $0x1, v41;
	v12 =	vadd.s32 $0x1, v40  }
0x63: {  	v15 =	vcvt.s32.f32 v40;
	v10 =	vshll.u32 v40, $0x9;
	v49 =	vshll.u32 v40, $0x6  }
0x64: {  	v51 =	vshll.u32 v40, $0x7;
	v60 =	vadd.s32 v1, v59;
	vm0 =	vlt.s32 v12, $0x3F  }
0x65: {  	v10 =	vand.u32 $0xFFFFFC00, v10;
	v52 =	vadd.s32 $0x4000, v51;
	v53 =	vadd.s32 $0x2000, v51  }
0x66: {  	v28 =	vmul.f32 v28, v23;
	v12 =	vnsel vm0, $0x3F, v12;
	v25 =	vadd.f32 $1.000000000e+00, v15  }
0x67: {  	v47 =	vsub.f32 v30, v15;
	v21 =	vadd.s32 v37, v52;
	v17 =	vadd.s32 v60, v10  }
0x68: {  	vm0 =	vlt.s32 v54, $0x3F;
	v44 =	vadd.s32 v37, v53;
	v18 =	vshll.u32 v12, $0x9  }
0x69: {  	v26 =	vsub.s32 v12, v40;
	v15 =	vshll.u32 v12, $0x6;
	v48 =	vshll.u32 v12, $0x7  }
0x6a: {  	v50 =	vand.u32 $0x40, v15;
	v15 =	vand.u32 $0xFFFFFC00, v18;
	v18 =	vand.u32 $0x40, v49  }
0x6b: {  	v25 =	vsub.f32 v25, v30;
	v30 =	vcvt.s32.f32 v41;
	v49 =	vand.u32 $0x7F, v41  }
0x6c: {  	v29 =	vadd.s32 v37, v48;
	v11 =	vadd.s32 $0x2000, v48;
	v10 =	vor.u32 v49, v21  }
0x6d: {  	s10 =	simm.s32 $0x40;
	v38 =	vld.idx.msk [tilespmem:v38+s18+$0x0], $0xffff;
	v33 =	vadd.s32 v60, v15;
	v15 =	vadd.s32 v37, v51;
	v43 =	vadd.s32 v18, v17  }
0x6e: {  	s13 =	simm.s32 $0x20;
	s4 =	sand.u32 $0x80, s10;
	v42 =	vld.idx.msk [tilespmem:v42+s18+$0x0], $0xffff;
	v18 =	vnsel vm0, $0x3F, v54;
	v14 =	vadd.s32 v37, v11;
	v29 =	vor.u32 v49, v29  }
0x6f: {  	s11 =	sand.u32 $0x30, s13;
	s4 =	sor.u32 s9, s4;
	v21 =	vadd.f32 $1.000000000e+00, v30;
	v15 =	vor.u32 v49, v15;
	v30 =	vsub.f32 v58, v30  }
0x70: {  	s4 =	sor.u32 s11, s4;
	v56 =	vand.u32 $0xFFFFFF80, v18;
	v57 =	vsub.s32 v18, v41;
	v50 =	vadd.s32 v50, v33  }
0x71: {  	v36 =	vld [tilespmem:s4+$0x0];
	v16 =	vor.u32 v49, v14;
	v33 =	vadd.s32 v56, v53;
	v59 =	vadd.s32 v57, v43  }
0x72: {  	v20 =	vld [tilespmem:s4+$0x800];
	v60 =	vadd.s32 v57, v50;
	v14 =	vadd.s32 v51, v56;
	v61 =	vadd.s32 v56, v11  }
0x73: {  	v51 =	vmul.f32 v38, v35;
	v38 =	vld.idx.msk [tilespmem:v27+s18+$0x0], $0xffff;
	v27 =	vadd.s32 v56, v52;
	v52 =	vmul.f32 v42, v46  }
0x74: {  	v32 =	vld.idx.msk [tilespmem:v32+s18+$0x0], $0xffff;
	v17 =	vsub.f32 v21, v58;
	v21 =	vcvt.s32.f32 v26;
	v58 =	vand.u32 $0x7F, v18  }
0x75: {  	v19 =	vmul.f32 v25, v30;
	v26 =	vadd.s32 $0x4000, v48;
	v14 =	vor.u32 v58, v14  }
0x76: {  	v42 =	vld.idx.msk [tilespmem:v24+s18+$0x0], $0xffff;
	v37 =	vadd.s32 v37, v26;
	v53 =	vadd.s32 v56, v26;
	v54 =	vmul.f32 v17, v47  }
0x77: {  	v63 =	vld.idx.msk [tilespmem:v13+s18+$0x0], $0xffff;
	v26 =	vmul.f32 v25, v17;
	v11 =	vmul.f32 v21, v19;
	v17 =	vadd.f32 $1.000000000e+00, v20  }
0x78: {  	v39 =	vld.idx.msk [tilespmem:v39+s18+$0x0], $0xffff;
	v20 =	vmul.f32 v47, v30;
	v30 =	vadd.f32 $1.000000000e+00, v36;
	v36 =	vcvt.s32.f32 v57  }
0x79: {  	v47 =	vmul.f32 v32, v46;
	v24 =	vor.u32 v58, v53;
	v53 =	vld.idx.msk [tilespmem:v22+s18+$0x0], $0xffff;
	v62 =	vmul.f32 $6.300000000e+01, v17  }
0x7a: {  	v19 =	vor.u32 v49, v37;
	v30 =	vmul.f32 $6.300000000e+01, v30;
	v13 =	vmul.f32 v36, v54  }
0x7b: {  	v37 =	vld.idx.msk [tilespmem:v34+s18+$0x0], $0xffff;
	v22 =	vor.u32 v49, v44;
	v49 =	vmul.f32 v38, v46;
	v44 =	vmul.f32 v42, v35  }
0x7c: {  	v25 =	vor.u32 v58, v61;
	v38 =	vld.idx.msk [tilespmem:v45+s18+$0x0], $0xffff;
	v45 =	vmul.f32 v55, v63;
	v61 =	vmul.f32 v62, v0  }
0x7d: {  	v17 =	vor.u32 v58, v33;
	v33 =	vmul.f32 v30, v0;
	v62 =	vmul.f32 v39, v23  }
0x7e: {  	v27 =	vor.u32 v58, v27;
	v53 =	vmul.f32 v53, v55;
	v32 =	vtrunc.f32 v61  }
0x7f: {  	v30 =	vadd.s32 v56, v48;
	v57 =	vtrunc.f32 v33;
	v34 =	vcvt.f32.s32 v32  }
0x80: {  	v32 =	vor.u32 v58, v30;
	v30 =	vmul.f32 v37, v55;
	v39 =	vcvt.f32.s32 v57  }
0x81: {  	s4 =	sadd.s32 $0x10000, s22;
	v38 =	vmul.f32 v38, v23;
	v58 =	vadd.s32 $0x1, v34;
	v54 =	vshll.u32 v34, $0x9  }
0x82: {  	v46 =	vcvt.s32.f32 v34;
	v63 =	vadd.f32 v62, v30;
	v55 =	vadd.s32 s4, v39  }
0x83: {  	v62 =	vld.idx.msk [tilespmem:v31+s18+$0x0], $0xffff;
	vm0 =	vlt.s32 v58, $0x3F;
	v31 =	vand.u32 $0xFFFFFC00, v54;
	v54 =	vadd.s32 $0x1, v39  }
0x84: {  	v37 =	vnsel vm0, $0x3F, v58;
	v56 =	vadd.f32 $1.000000000e+00, v46;
	v30 =	vsub.f32 v61, v46  }
0x85: {  	s3 =	simm.s32 $0x10;
	v57 =	vadd.f32 v52, v63;
	v58 =	vadd.f32 v38, v53;
	v38 =	vshll.u32 v34, $0x6  }
0x86: {  	[tilespmem:v9+s3+$0x0 ss:$0x1] =	vst.idx.msk $0xffff, v43;
	v63 =	vadd.f32 v28, v45;
	v28 =	vand.u32 $0x7F, v39;
	v45 =	vand.u32 $0xFFFFFF80, v39  }
0x87: {  	[tilespmem:v8+s3+$0x0 ss:$0x1] =	vst.idx.msk $0xffff, v59;
	vm0 =	vlt.s32 v54, $0x3F;
	v48 =	vshll.u32 v37, $0x9;
	v52 =	vshll.u32 v37, $0x6  }
0x88: {  	[tilespmem:v7+s3+$0x0 ss:$0x1] =	vst.idx.msk $0xffff, v50;
	v42 =	vsub.s32 v37, v34;
	v23 =	vshll.u32 v37, $0x7;
	v46 =	vand.u32 $0x40, v52  }
0x89: {  	s24 =	sadd.s32 $0x0, s2;
	[tilespmem:v6+s3+$0x0 ss:$0x1] =	vst.idx.msk $0xffff, v60;
	v53 =	vand.u32 $0xFFFFFC00, v48;
	v52 =	vand.u32 $0x40, v38;
	v38 =	vsub.f32 v56, v61  }
0x8a: {  	s0 =	sand.u32 $0x780, s24;
	[tilespmem:v5+s3+$0x0 ss:$0x1] =	vst.idx.msk $0xffff, v40;
	v61 =	vadd.f32 v51, v57;
	v51 =	vcvt.s32.f32 v39;
	v48 =	vshll.u32 v34, $0x7  }
0x8b: {  	s15 =	sor.u32 s12, s0;
	[tilespmem:v3+s3+$0x0 ss:$0x1] =	vst.idx.msk $0xffff, v41;
	v56 =	vadd.s32 v1, v55;
	v49 =	vadd.f32 v49, v58;
	v43 =	vadd.s32 $0x4000, v48  }
0x8c: {  	s5 =	simm.s32 $0x60;
	v57 =	vadd.f32 v47, v63;
	v50 =	vadd.s32 $0x2000, v48;
	[tilespmem:s15+$0xA800] =	vst v61;
	v61 =	vadd.s32 v45, v43  }
0x8d: {  	s14 =	simm.s32 $0x80;
	s12 =	sshll.u32 s6, $0x7;
	s0 =	simm.s32 $0xC0;
	v55 =	vadd.s32 v56, v31;
	v47 =	vmul.f32 v62, v35;
	v31 =	vor.u32 v28, v61  }
.LBB2_3:
0x8e: {  	s23 =	sand.u32 $0x80, s5;
	v53 =	vadd.s32 v56, v53;
	v56 =	vadd.f32 $1.000000000e+00, v51;
	[tilespmem:v2+s3+$0x0 ss:$0x1] =	vst.idx.msk $0xffff, v12  }
0x8f: {  	s13 =	sadd.s32 $0x10, s13;
	v21 =	vmul.f32 v21, v36;
	v35 =	vmovc v20;
	v41 =	vmovc v34;
	v40 =	vmov v39;
	v12 =	vmov v37;
	s21 =	smov.u32 s0;
	s22 =	sadd.s32 $0x40, s0  }
0x90: {  	p0 =	sne.s32 s0, $0x1C0;
	v20 =	vadd.s32 v45, v48;
	v34 =	vadd.s32 v45, v23;
	s24 =	sand.u32 $0x30, s13;
	s23 =	sor.u32 s9, s23;
	v36 =	vadd.f32 v47, v57  }
0x91: {  	v37 =	vadd.s32 v52, v55;
	v39 =	vor.u32 v28, v20;
	s0 =	sor.u32 s24, s23;
	v52 =	vmul.f32 v21, v26  }
0x92: {  	v20 =	vsub.f32 v56, v33;
	v21 =	vcvt.s32.f32 v42;
	v26 =	vadd.f32 v44, v49;
	v55 =	vld [tilespmem:s0+$0x0];
	[tilespmem:v4+s3+$0x0 ss:$0x1] =	vst.idx.msk $0xffff, v18  }
0x93: {  	v33 =	vsub.f32 v33, v51;
	v42 =	vadd.s32 v45, v50;
	v18 =	vnsel vm0, $0x3F, v54;
	v44 =	vld.idx.msk [tilespmem:v25+s18+$0x0], $0xffff;
	[tilespmem:s15+$0xA000] =	vst v36  }
0x94: {  	v51 =	vmul.f32 v20, v30;
	v54 =	vand.u32 $0xFFFFFF80, v18;
	v36 =	vadd.s32 $0x2000, v23;
	v25 =	vld [tilespmem:s0+$0x800];
	[tilespmem:s15+$0xB000] =	vst v26  }
0x95: {  	v46 =	vadd.s32 v46, v53;
	v56 =	vsub.s32 v18, v40;
	v26 =	vadd.s32 v45, v36;
	v29 =	vld.idx.msk [tilespmem:v29+s18+$0x0], $0xffff  }
0x96: {  	v53 =	vand.u32 $0x7F, v18;
	v50 =	vadd.s32 v54, v50;
	v26 =	vor.u32 v28, v26;
	v47 =	vld.idx.msk [tilespmem:v32+s18+$0x0], $0xffff  }
0x97: {  	v49 =	vadd.s32 v56, v46;
	v48 =	vadd.s32 v48, v54;
	v32 =	vadd.s32 v56, v37;
	v57 =	vld.idx.msk [tilespmem:v27+s18+$0x0], $0xffff  }
0x98: {  	v58 =	vadd.s32 $0x4000, v23;
	v48 =	vor.u32 v53, v48;
	v27 =	vmul.f32 v38, v33;
	v59 =	vld.idx.msk [tilespmem:v16+s18+$0x0], $0xffff;
	v16 =	vmovc v26  }
0x99: {  	v45 =	vadd.s32 v45, v58;
	v36 =	vadd.s32 v54, v36;
	v58 =	vadd.s32 v54, v58;
	v60 =	vld.idx.msk [tilespmem:v15+s18+$0x0], $0xffff  }
0x9a: {  	v26 =	vmul.f32 v38, v20;
	v38 =	vmul.f32 v21, v27;
	v27 =	vor.u32 v28, v45;
	v45 =	vld.idx.msk [tilespmem:v24+s18+$0x0], $0xffff  }
0x9b: {  	v20 =	vmul.f32 v30, v33;
	v15 =	vmovc v39;
	v24 =	vadd.f32 $1.000000000e+00, v25;
	v25 =	vor.u32 v53, v36;
	v30 =	vld.idx.msk [tilespmem:v19+s18+$0x0], $0xffff  }
0x9c: {  	s3 =	sshra.s32 s14, $0x2;
	s14 =	smov.u32 s21;
	v33 =	vadd.f32 $1.000000000e+00, v55;
	v55 =	vmul.f32 v44, v35;
	v61 =	vmul.f32 v29, v13;
	v19 =	vmovc v27;
	v22 =	vld.idx.msk [tilespmem:v22+s18+$0x0], $0xffff  }
0x9d: {  	v24 =	vmul.f32 $6.300000000e+01, v24;
	[tilespmem:v9+s3+$0x0 ss:$0x1] =	vst.idx.msk $0xffff, v37;
	v37 =	vld.idx.msk [tilespmem:v17+s18+$0x0], $0xffff;
	v17 =	vor.u32 v53, v50  }
0x9e: {  	v29 =	vmul.f32 $6.300000000e+01, v33;
	v27 =	vadd.s32 v54, v43;
	v43 =	vmul.f32 v59, v13;
	[tilespmem:v8+s3+$0x0 ss:$0x1] =	vst.idx.msk $0xffff, v32  }
0x9f: {  	s4 =	sadd.s32 $0x10000, s4;
	v36 =	vcvt.s32.f32 v56;
	v27 =	vor.u32 v53, v27;
	v50 =	vmul.f32 v24, v0;
	[tilespmem:v7+s3+$0x0 ss:$0x1] =	vst.idx.msk $0xffff, v46  }
0xa0: {  	v23 =	vadd.s32 v54, v23;
	v33 =	vmul.f32 v29, v0;
	v29 =	vor.u32 v28, v34;
	v46 =	vld.idx.msk [tilespmem:v10+s18+$0x0], $0xffff  }
0xa1: {  	v39 =	vmul.f32 v36, v51;
	v24 =	vor.u32 v53, v58;
	v44 =	vtrunc.f32 v50;
	v51 =	vld.idx.msk [tilespmem:v14+s18+$0x0], $0xffff;
	v14 =	vmovc v48  }
0xa2: {  	v32 =	vor.u32 v53, v23;
	v10 =	vmovc v31;
	v34 =	vcvt.f32.s32 v44;
	v23 =	vmul.f32 v22, v52  }
0xa3: {  	v31 =	vtrunc.f32 v33;
	v54 =	vmul.f32 v30, v13;
	v13 =	vmovc v39;
	v22 =	vor.u32 v28, v42  }
0xa4: {  	v44 =	vmul.f32 v45, v35;
	v28 =	vadd.s32 $0x1, v34;
	v48 =	vshll.u32 v34, $0x9  }
0xa5: {  	v42 =	vmul.f32 v37, v11;
	v30 =	vcvt.s32.f32 v34;
	vm0 =	vlt.s32 v28, $0x3F  }
0xa6: {  	v39 =	vcvt.f32.s32 v31;
	v37 =	vnsel vm0, $0x3F, v28;
	v28 =	vmul.f32 v52, v60  }
0xa7: {  	v23 =	vadd.f32 v42, v23;
	v45 =	vadd.f32 $1.000000000e+00, v30;
	v31 =	vshll.u32 v37, $0x9  }
0xa8: {  	v56 =	vadd.s32 s4, v39;
	v52 =	vmul.f32 v46, v52;
	v42 =	vsub.s32 v37, v34  }
0xa9: {  	v53 =	vmul.f32 v57, v11;
	v30 =	vsub.f32 v50, v30;
	v43 =	vadd.f32 v43, v23  }
0xaa: {  	v46 =	vshll.u32 v37, $0x6;
	v23 =	vshll.u32 v37, $0x7;
	v51 =	vmul.f32 v51, v11;
	v11 =	vmovc v38  }
0xab: {  	v38 =	vshll.u32 v34, $0x6;
	v46 =	vand.u32 $0x40, v46;
	v57 =	vadd.f32 v53, v52  }
0xac: {  	s0 =	sadd.s32 s8, s2;
	s8 =	smov.u32 s10;
	s10 =	smov.u32 s5;
	v58 =	vand.u32 $0xFFFFFC00, v48;
	v53 =	vand.u32 $0xFFFFFC00, v31;
	v59 =	vadd.f32 v51, v28  }
0xad: {  	s0 =	sand.u32 $0x780, s0;
	v52 =	vand.u32 $0x40, v38;
	v38 =	vsub.f32 v45, v50;
	v31 =	vadd.f32 v55, v43  }
.Ltmp0:
0xae: {  	s15 =	sor.u32 s7, s0;
	s7 =	smov.u32 s11;
	v48 =	vshll.u32 v34, $0x7;
	v51 =	vcvt.s32.f32 v39;
	v28 =	vand.u32 $0x7F, v39;
	(pc) =	sbr.rel @p0 .LBB2_3-.Ltmp0, $4  }
0xaf: {  	s11 =	smov.u32 s24;
	v56 =	vadd.s32 v1, v56;
	v45 =	vand.u32 $0xFFFFFF80, v39;
	v43 =	vadd.s32 $0x4000, v48;
	[tilespmem:s15+$0xA800] =	vst v31  }
0xb0: {  	v50 =	vadd.s32 $0x2000, v48;
	v31 =	vadd.s32 v45, v43;
	[tilespmem:v6+s3+$0x0 ss:$0x1] =	vst.idx.msk $0xffff, v49;
	v49 =	vadd.f32 v54, v57  }
0xb1: {  	v55 =	vadd.s32 v56, v58;
	v54 =	vadd.s32 $0x1, v39;
	v31 =	vor.u32 v28, v31;
	[tilespmem:v5+s3+$0x0 ss:$0x1] =	vst.idx.msk $0xffff, v41  }
0xb2: {  	s5 =	sadd.s32 $0x20, s5;
	s0 =	smov.u32 s22;
	v47 =	vmul.f32 v47, v35;
	v57 =	vadd.f32 v61, v59;
	vm0 =	vlt.s32 v54, $0x3F;
	[tilespmem:v3+s3+$0x0 ss:$0x1] =	vst.idx.msk $0xffff, v40  }
0xb3: {  	_ =	sdelay $0x3  }
0xb4: {  	[tilespmem:v2+s3+$0x0 ss:$0x1] =	vst.idx.msk $0xffff, v12  }
0xb5: {  	[tilespmem:v4+s3+$0x0 ss:$0x1] =	vst.idx.msk $0xffff, v18  }
0xb6: {  	v35 =	vadd.s32 v56, v53;
	v25 =	vld.idx.msk [tilespmem:v25+s18+$0x0], $0xffff  }
0xb7: {  	v40 =	vadd.f32 $1.000000000e+00, v51;
	v53 =	vmul.f32 v21, v36;
	v56 =	vadd.s32 v45, v48;
	v29 =	vld.idx.msk [tilespmem:v29+s18+$0x0], $0xffff  }
0xb8: {  	v36 =	vadd.s32 v45, v23;
	v58 =	vadd.s32 $0x2000, v23;
	v41 =	vadd.f32 v47, v57;
	v32 =	vld.idx.msk [tilespmem:v32+s18+$0x0], $0xffff  }
0xb9: {  	v57 =	vadd.s32 v52, v55;
	v21 =	vor.u32 v28, v56;
	v18 =	vadd.f32 v44, v49;
	v27 =	vld.idx.msk [tilespmem:v27+s18+$0x0], $0xffff  }
0xba: {  	v44 =	vadd.s32 v45, v50;
	v35 =	vadd.s32 v46, v35;
	v59 =	vadd.s32 v45, v58;
	v16 =	vld.idx.msk [tilespmem:v16+s18+$0x0], $0xffff  }
0xbb: {  	v12 =	vmul.f32 v53, v26;
	v26 =	vsub.f32 v40, v33;
	v40 =	vnsel vm0, $0x3F, v54;
	v15 =	vld.idx.msk [tilespmem:v15+s18+$0x0], $0xffff  }
0xbc: {  	s0 =	sshra.s32 s14, $0x2;
	v56 =	vadd.s32 $0x4000, v23;
	v33 =	vsub.f32 v33, v51;
	v24 =	vld.idx.msk [tilespmem:v24+s18+$0x0], $0xffff;
	v53 =	vsub.s32 v40, v39  }
0xbd: {  	v46 =	vor.u32 v28, v59;
	[tilespmem:v9+s0+$0x0 ss:$0x1] =	vst.idx.msk $0xffff, v57;
	v19 =	vld.idx.msk [tilespmem:v19+s18+$0x0], $0xffff;
	v55 =	vadd.s32 v53, v57  }
0xbe: {  	v59 =	vor.u32 v28, v44;
	v51 =	vand.u32 $0xFFFFFF80, v40;
	v60 =	vadd.s32 v53, v35;
	[tilespmem:v8+s0+$0x0 ss:$0x1] =	vst.idx.msk $0xffff, v55  }
0xbf: {  	v54 =	vand.u32 $0x7F, v40;
	v61 =	vadd.s32 v48, v51;
	v63 =	vadd.s32 v51, v58;
	[tilespmem:v7+s0+$0x0 ss:$0x1] =	vst.idx.msk $0xffff, v35  }
0xc0: {  	v22 =	vld.idx.msk [tilespmem:v22+s18+$0x0], $0xffff;
	v52 =	vadd.s32 v51, v43;
	v48 =	vor.u32 v54, v63;
	[tilespmem:v6+s0+$0x0 ss:$0x1] =	vst.idx.msk $0xffff, v60  }
0xc1: {  	v17 =	vld.idx.msk [tilespmem:v17+s18+$0x0], $0xffff;
	v49 =	vmul.f32 v26, v30;
	v35 =	vor.u32 v54, v52;
	[tilespmem:v5+s0+$0x0 ss:$0x1] =	vst.idx.msk $0xffff, v34  }
0xc2: {  	v50 =	vadd.s32 v51, v50;
	v62 =	vmul.f32 v38, v33;
	v55 =	vcvt.s32.f32 v42;
	[tilespmem:v3+s0+$0x0 ss:$0x1] =	vst.idx.msk $0xffff, v39  }
0xc3: {  	v10 =	vld.idx.msk [tilespmem:v10+s18+$0x0], $0xffff;
	v58 =	vadd.s32 v45, v56;
	v9 =	vadd.s32 v51, v56;
	[tilespmem:v2+s0+$0x0 ss:$0x1] =	vst.idx.msk $0xffff, v37  }
0xc4: {  	v14 =	vld.idx.msk [tilespmem:v14+s18+$0x0], $0xffff;
	v57 =	vor.u32 v54, v61;
	v8 =	vmul.f32 v55, v62;
	[tilespmem:v4+s0+$0x0 ss:$0x1] =	vst.idx.msk $0xffff, v40  }
0xc5: {  	v61 =	vor.u32 v54, v50;
	v60 =	vmul.f32 v29, v13;
	v25 =	vmul.f32 v25, v20;
	v7 =	vld.idx.msk [tilespmem:v48+s18+$0x0], $0xffff  }
0xc6: {  	v43 =	vadd.s32 v51, v23;
	v16 =	vmul.f32 v16, v13;
	v62 =	vcvt.s32.f32 v53;
	v63 =	vld.idx.msk [tilespmem:v35+s18+$0x0], $0xffff  }
0xc7: {  	v42 =	vor.u32 v28, v36;
	v22 =	vmul.f32 v22, v12;
	v17 =	vmul.f32 v17, v11;
	v40 =	vld.idx.msk [tilespmem:v46+s18+$0x0], $0xffff  }
0xc8: {  	v9 =	vor.u32 v54, v9;
	v15 =	vmul.f32 v12, v15;
	v10 =	vmul.f32 v10, v12;
	v21 =	vld.idx.msk [tilespmem:v21+s18+$0x0], $0xffff  }
0xc9: {  	v23 =	vor.u32 v54, v43;
	v50 =	vmul.f32 v24, v20;
	v54 =	vmul.f32 v32, v20;
	v45 =	vld.idx.msk [tilespmem:v59+s18+$0x0], $0xffff  }
0xca: {  	v34 =	vor.u32 v28, v58;
	v3 =	vmul.f32 v38, v26;
	v17 =	vadd.f32 v17, v22;
	v47 =	vld.idx.msk [tilespmem:v61+s18+$0x0], $0xffff  }
0xcb: {  	v44 =	vmul.f32 v62, v49;
	v6 =	vmul.f32 v55, v62;
	v5 =	vld.idx.msk [tilespmem:v57+s18+$0x0], $0xffff  }
0xcc: {  	v49 =	vmul.f32 v19, v13;
	v16 =	vadd.f32 v16, v17;
	v46 =	vmul.f32 v14, v11;
	v51 =	vld.idx.msk [tilespmem:v31+s18+$0x0], $0xffff  }
0xcd: {  	v3 =	vmul.f32 v6, v3;
	v48 =	vmul.f32 v27, v11;
	v53 =	vld.idx.msk [tilespmem:v42+s18+$0x0], $0xffff  }
0xce: {  	v2 =	vmul.f32 v30, v33;
	v52 =	vadd.f32 v25, v16;
	v12 =	vadd.f32 v46, v15  }
0xcf: {  	v55 =	vld.idx.msk [tilespmem:v34+s18+$0x0], $0xffff;
	v10 =	vadd.f32 v48, v10;
	v56 =	vmul.f32 v40, v44;
	v58 =	vmul.f32 v45, v3  }
0xd0: {  	v57 =	vld.idx.msk [tilespmem:v23+s18+$0x0], $0xffff;
	v4 =	vadd.f32 v60, v12;
	v14 =	vmul.f32 v47, v8;
	v59 =	vmul.f32 v3, v21  }
0xd1: {  	v9 =	vld.idx.msk [tilespmem:v9+s18+$0x0], $0xffff;
	v10 =	vadd.f32 v49, v10;
	v5 =	vmul.f32 v5, v8;
	v3 =	vmul.f32 v51, v3  }
0xd2: {  	s8 =	sadd.s32 s8, s2;
	v8 =	vmul.f32 v63, v8;
	v6 =	vmul.f32 v53, v44;
	v14 =	vadd.f32 v14, v58  }
0xd3: {  	[tilespmem:s15+$0xA000] =	vst v41;
	s0 =	sand.u32 $0x780, s8;
	v7 =	vmul.f32 v7, v2;
	v4 =	vadd.f32 v54, v4;
	v5 =	vadd.f32 v5, v59  }
0xd4: {  	[tilespmem:s15+$0xB000] =	vst v18;
	s0 =	sor.u32 s7, s0;
	v60 =	vmul.f32 v55, v44;
	v3 =	vadd.f32 v8, v3;
	v14 =	vadd.f32 v56, v14  }
0xd5: {  	s9 =	sadd.s32 s10, s2;
	[tilespmem:s0+$0xA800] =	vst v52;
	v62 =	vmul.f32 v57, v2;
	v61 =	vadd.f32 v50, v10;
	v5 =	vadd.f32 v6, v5  }
0xd6: {  	s3 =	sand.u32 $0x780, s9;
	v2 =	vmul.f32 v9, v2;
	[tilespmem:s0+$0xA000] =	vst v4;
	v3 =	vadd.f32 v60, v3;
	v63 =	vadd.f32 v7, v14  }
0xd7: {  	s10 =	sor.u32 s11, s3;
	[tilespmem:s0+$0xB000] =	vst v61;
	v5 =	vadd.f32 v62, v5  }
0xd8: {  	s13 =	sadd.s32 $0x7000, s12;
	s14 =	sadd.s32 $0x9400, s12;
	s21 =	sadd.s32 $0x9800, s12;
	v2 =	vadd.f32 v2, v3;
	[tilespmem:s10+$0xA800] =	vst v63  }
0xd9: {  	s22 =	sadd.s32 $0x7800, s12;
	s23 =	sadd.s32 $0x9C00, s12;
	s24 =	sadd.s32 $0x7C00, s12;
	[tilespmem:s10+$0xA000] =	vst v5  }
0xda: {  	s6 =	sadd.s32 $0x1, s6;
	s16 =	sadd.s32 $0x80000, s16;
	s11 =	sadd.s32 $0x9000, s12;
	[tilespmem:s10+$0xB000] =	vst v2  }
0xdb: {  	[tilespmem:s11], [sflag:$0x1] =	stream.indirect.gather [hbm4b:s1+s25], $0x1, s13, s25, $0xb8;
	[tilespmem:$0xD000] =	vst v63  }
0xdc: {  	s2 =	sadd.s32 $0x100, s2;
	p0 =	sne.s32 s6, $0x8;
	s15 =	sadd.s32 $0x7400, s12  }
0xdd: {  	[tilespmem:s14], [sflag:$0x2] =	stream.indirect.gather [hbm4b:s1+s25], $0x1, s15, s25, $0xb8;
	[tilespmem:$0xD000] =	vst v63  }
.Ltmp1:
0xde: {  	s17 =	sadd.s32 $0x80, s17;
	s19 =	sadd.s32 $0x80, s19;
	(pc) =	sbr.rel @p0 .LBB2_2-.Ltmp1, $4  }
0xdf: {  	s20 =	sadd.s32 $0x80, s20;
	s26 =	sadd.s32 $0x80, s26;
	s28 =	sadd.s32 $0x80, s28  }
0xe0: {  	[tilespmem:s21], [sflag:$0x3] =	stream.indirect.gather [hbm4b:s1+s25], $0x1, s22, s25, $0xb8;
	[tilespmem:$0xD000] =	vst v63  }
0xe1: {  	s29 =	sadd.s32 $0x80, s29;
	s30 =	sadd.s32 $0x80, s30;
	s31 =	sadd.s32 $0x80, s31  }
0xe2: {  	[tilespmem:s23], [sflag:$0x4] =	stream.indirect.gather [hbm4b:s1+s25], $0x1, s24, s25, $0xb8;
	[tilespmem:$0xD000] =	vst v63  }
0xe3: {  	s9 =	simm.s32 $0x1  }
0xe4: {  	_ =	swait.ge [sflag:s9], $0x80  }
0xe5: {  	[sflag:s9] =	ssyncset.done $0x0  }
0xe6: {  	s10 =	simm.s32 $0x2;
	[sflag:s9] =	ssyncadd.s32 $0xFFFFFF80  }
0xe7: {  	_ =	swait.ge [sflag:s10], $0x80  }
0xe8: {  	[sflag:s10] =	ssyncset.done $0x0  }
0xe9: {  	s11 =	simm.s32 $0x3;
	[sflag:s10] =	ssyncadd.s32 $0xFFFFFF80  }
0xea: {  	_ =	swait.ge [sflag:s11], $0x80  }
0xeb: {  	[sflag:s11] =	ssyncset.done $0x0  }
0xec: {  	s12 =	simm.s32 $0x4;
	[sflag:s11] =	ssyncadd.s32 $0xFFFFFF80  }
0xed: {  	_ =	swait.ge [sflag:s12], $0x80  }
0xee: {  	[sflag:s12] =	ssyncset.done $0x0  }
0xef: {  	[sflag:s12] =	ssyncadd.s32 $0xFFFFFF80  }
0xf0: {  	_ =	swait.ge [sflag:s9], $0x80  }
0xf1: {  	[sflag:s9] =	ssyncset.done $0x0  }
0xf2: {  	[sflag:s9] =	ssyncadd.s32 $0xFFFFFF80  }
0xf3: {  	_ =	swait.ge [sflag:s10], $0x80  }
0xf4: {  	[sflag:s10] =	ssyncset.done $0x0  }
0xf5: {  	[sflag:s10] =	ssyncadd.s32 $0xFFFFFF80  }
0xf6: {  	_ =	swait.ge [sflag:s11], $0x80  }
0xf7: {  	[sflag:s11] =	ssyncset.done $0x0  }
0xf8: {  	[sflag:s11] =	ssyncadd.s32 $0xFFFFFF80  }
0xf9: {  	_ =	swait.ge [sflag:s12], $0x80  }
0xfa: {  	[sflag:s12] =	ssyncset.done $0x0  }
0xfb: {  	[sflag:s12] =	ssyncadd.s32 $0xFFFFFF80  }
0xfc: {  	_ =	swait.ge [sflag:s9], $0x80  }
0xfd: {  	[sflag:s9] =	ssyncset.done $0x0  }
0xfe: {  	[sflag:s9] =	ssyncadd.s32 $0xFFFFFF80  }
0xff: {  	_ =	swait.ge [sflag:s10], $0x80  }
0x100: {  	[sflag:s10] =	ssyncset.done $0x0  }
0x101: {  	[sflag:s10] =	ssyncadd.s32 $0xFFFFFF80  }
0x102: {  	_ =	swait.ge [sflag:s11], $0x80  }
0x103: {  	[sflag:s11] =	ssyncset.done $0x0  }
0x104: {  	[sflag:s11] =	ssyncadd.s32 $0xFFFFFF80  }
0x105: {  	_ =	swait.ge [sflag:s12], $0x80  }
0x106: {  	[sflag:s12] =	ssyncset.done $0x0  }
0x107: {  	[sflag:s12] =	ssyncadd.s32 $0xFFFFFF80  }
0x108: {  	_ =	swait.ge [sflag:s9], $0x80  }
0x109: {  	[sflag:s9] =	ssyncset.done $0x0  }
0x10a: {  	[sflag:s9] =	ssyncadd.s32 $0xFFFFFF80  }
0x10b: {  	_ =	swait.ge [sflag:s10], $0x80  }
0x10c: {  	[sflag:s10] =	ssyncset.done $0x0  }
0x10d: {  	[sflag:s10] =	ssyncadd.s32 $0xFFFFFF80  }
0x10e: {  	_ =	swait.ge [sflag:s11], $0x80  }
0x10f: {  	[sflag:s11] =	ssyncset.done $0x0  }
0x110: {  	[sflag:s11] =	ssyncadd.s32 $0xFFFFFF80  }
0x111: {  	_ =	swait.ge [sflag:s12], $0x80  }
0x112: {  	[sflag:s12] =	ssyncset.done $0x0  }
0x113: {  	[sflag:s12] =	ssyncadd.s32 $0xFFFFFF80  }
0x114: {  	_ =	swait.ge [sflag:s9], $0x80  }
0x115: {  	[sflag:s9] =	ssyncset.done $0x0  }
0x116: {  	[sflag:s9] =	ssyncadd.s32 $0xFFFFFF80  }
0x117: {  	_ =	swait.ge [sflag:s10], $0x80  }
0x118: {  	[sflag:s10] =	ssyncset.done $0x0  }
0x119: {  	[sflag:s10] =	ssyncadd.s32 $0xFFFFFF80  }
0x11a: {  	_ =	swait.ge [sflag:s11], $0x80  }
0x11b: {  	[sflag:s11] =	ssyncset.done $0x0  }
0x11c: {  	[sflag:s11] =	ssyncadd.s32 $0xFFFFFF80  }
0x11d: {  	_ =	swait.ge [sflag:s12], $0x80  }
0x11e: {  	[sflag:s12] =	ssyncset.done $0x0  }
0x11f: {  	[sflag:s12] =	ssyncadd.s32 $0xFFFFFF80  }
0x120: {  	_ =	swait.ge [sflag:s9], $0x80  }
0x121: {  	[sflag:s9] =	ssyncset.done $0x0  }
0x122: {  	[sflag:s9] =	ssyncadd.s32 $0xFFFFFF80  }
0x123: {  	_ =	swait.ge [sflag:s10], $0x80  }
0x124: {  	[sflag:s10] =	ssyncset.done $0x0  }
0x125: {  	[sflag:s10] =	ssyncadd.s32 $0xFFFFFF80  }
0x126: {  	_ =	swait.ge [sflag:s11], $0x80  }
0x127: {  	[sflag:s11] =	ssyncset.done $0x0  }
0x128: {  	[sflag:s11] =	ssyncadd.s32 $0xFFFFFF80  }
0x129: {  	_ =	swait.ge [sflag:s12], $0x80  }
0x12a: {  	[sflag:s12] =	ssyncset.done $0x0  }
0x12b: {  	[sflag:s12] =	ssyncadd.s32 $0xFFFFFF80  }
0x12c: {  	_ =	swait.ge [sflag:s9], $0x80  }
0x12d: {  	[sflag:s9] =	ssyncset.done $0x0  }
0x12e: {  	[sflag:s9] =	ssyncadd.s32 $0xFFFFFF80  }
0x12f: {  	_ =	swait.ge [sflag:s10], $0x80  }
0x130: {  	[sflag:s10] =	ssyncset.done $0x0  }
0x131: {  	[sflag:s10] =	ssyncadd.s32 $0xFFFFFF80  }
0x132: {  	_ =	swait.ge [sflag:s11], $0x80  }
0x133: {  	[sflag:s11] =	ssyncset.done $0x0  }
0x134: {  	[sflag:s11] =	ssyncadd.s32 $0xFFFFFF80  }
0x135: {  	_ =	swait.ge [sflag:s12], $0x80  }
0x136: {  	[sflag:s12] =	ssyncset.done $0x0  }
0x137: {  	[sflag:s12] =	ssyncadd.s32 $0xFFFFFF80  }
0x138: {  	_ =	swait.ge [sflag:s9], $0x80  }
0x139: {  	[sflag:s9] =	ssyncset.done $0x0  }
0x13a: {  	[sflag:s9] =	ssyncadd.s32 $0xFFFFFF80  }
0x13b: {  	_ =	swait.ge [sflag:s10], $0x80  }
0x13c: {  	[sflag:s10] =	ssyncset.done $0x0  }
0x13d: {  	[sflag:s10] =	ssyncadd.s32 $0xFFFFFF80  }
0x13e: {  	_ =	swait.ge [sflag:s11], $0x80  }
0x13f: {  	[sflag:s11] =	ssyncset.done $0x0  }
0x140: {  	[sflag:s11] =	ssyncadd.s32 $0xFFFFFF80  }
0x141: {  	_ =	swait.ge [sflag:s12], $0x80  }
0x142: {  	[sflag:s12] =	ssyncset.done $0x0  }
0x143: {  	s0 =	simm.s32 $0x0;
	[sflag:s12] =	ssyncadd.s32 $0xFFFFFF80  }
0x144: {  	v3 =	vld [tilespmem:s0+$0x8000]  }
0x145: {  	v4 =	vld [tilespmem:s0+$0x8400]  }
0x146: {  	v5 =	vld [tilespmem:s0+$0x8C00]  }
0x147: {  	v6 =	vld [tilespmem:s0+$0x8800];
	_ =	sdelay $0x2  }
0x148: {  	v7 =	vshll.u32 v3, $0x7;
	v8 =	vand.u32 $0xFFFFFF80, v4  }
0x149: {  	v9 =	vand.u32 $0x7F, v4;
	v11 =	vand.u32 $0xFFFFFF80, v5;
	v2 =	vadd.s32 $0x4000, v7  }
0x14a: {  	v16 =	vld [tilespmem:s0+$0x9800];
	v12 =	vand.u32 $0x7F, v5;
	v14 =	vshll.u32 v6, $0x7;
	v10 =	vadd.s32 v8, v2  }
0x14b: {  	v18 =	vld [tilespmem:s0+$0x9000];
	v4 =	vsub.s32 v5, v4;
	v13 =	vadd.s32 v2, v11;
	v10 =	vor.u32 v9, v10  }
0x14c: {  	s26 =	simm.s32 $0x10;
	v19 =	vld [tilespmem:s0+$0x9400];
	v3 =	vsub.s32 v6, v3;
	v15 =	vadd.s32 $0x4000, v14;
	v13 =	vor.u32 v12, v13  }
0x14d: {  	v20 =	vld [tilespmem:s26+$0x8800];
	v4 =	vcvt.s32.f32 v4;
	v3 =	vcvt.s32.f32 v3;
	v17 =	vadd.s32 v8, v15  }
0x14e: {  	v24 =	vld [tilespmem:s26+$0x8400];
	v21 =	vadd.s32 v8, v14;
	v15 =	vadd.s32 v11, v15;
	v17 =	vor.u32 v9, v17  }
0x14f: {  	v23 =	vadd.s32 v7, v11;
	v2 =	vld [tilespmem:s0+$0x9C00];
	v21 =	vor.u32 v9, v21;
	v6 =	vor.u32 v12, v15  }
0x150: {  	v15 =	vadd.s32 v7, v8;
	v22 =	vmul.f32 v4, v3;
	v7 =	vadd.s32 $0x2000, v7;
	v5 =	vld.idx.msk [tilespmem:v10+s18+$0x0], $0xffff  }
0x151: {  	v3 =	vmul.f32 v3, v19;
	v16 =	vmul.f32 v4, v16;
	v15 =	vor.u32 v9, v15;
	v10 =	vld.idx.msk [tilespmem:v13+s18+$0x0], $0xffff  }
0x152: {  	v4 =	vor.u32 v12, v23;
	v23 =	vld [tilespmem:s26+$0x8000];
	v13 =	vadd.s32 v14, v11;
	v14 =	vadd.s32 $0x2000, v14  }
0x153: {  	v17 =	vld.idx.msk [tilespmem:v17+s18+$0x0], $0xffff;
	v19 =	vadd.s32 v11, v14;
	v14 =	vadd.s32 v8, v14;
	v8 =	vadd.s32 v8, v7  }
0x154: {  	v18 =	vmul.f32 v22, v18;
	v22 =	vld [tilespmem:s26+$0x8C00];
	v8 =	vor.u32 v9, v8  }
0x155: {  	v6 =	vld.idx.msk [tilespmem:v6+s18+$0x0], $0xffff;
	v7 =	vadd.s32 v7, v11  }
0x156: {  	v11 =	vld.idx.msk [tilespmem:v15+s18+$0x0], $0xffff;
	v7 =	vor.u32 v12, v7;
	v5 =	vmul.f32 v5, v18;
	v10 =	vmul.f32 v10, v3  }
0x157: {  	v29 =	vld [tilespmem:s26+$0x9800];
	v25 =	vor.u32 v9, v14  }
0x158: {  	v27 =	vshll.u32 v20, $0x7;
	v9 =	vld.idx.msk [tilespmem:v21+s18+$0x0], $0xffff;
	v5 =	vadd.f32 v10, v5;
	v10 =	vmul.f32 v17, v16  }
0x159: {  	v28 =	vadd.s32 $0x4000, v27;
	v15 =	vshll.u32 v23, $0x7;
	v19 =	vor.u32 v12, v19;
	v8 =	vld.idx.msk [tilespmem:v8+s18+$0x0], $0xffff  }
0x15a: {  	v21 =	vand.u32 $0xFFFFFF80, v22;
	v6 =	vmul.f32 v6, v2;
	v5 =	vadd.f32 v10, v5;
	v10 =	vld.idx.msk [tilespmem:v4+s18+$0x0], $0xffff  }
0x15b: {  	v13 =	vor.u32 v12, v13;
	v34 =	vadd.s32 v15, v21;
	v11 =	vmul.f32 v11, v18;
	v7 =	vld.idx.msk [tilespmem:v7+s18+$0x0], $0xffff  }
0x15c: {  	v17 =	vand.u32 $0x7F, v24;
	v4 =	vadd.s32 $0x4000, v15;
	v14 =	vadd.f32 v6, v5;
	v5 =	vld.idx.msk [tilespmem:v25+s18+$0x0], $0xffff  }
0x15d: {  	v31 =	vld [tilespmem:s26+$0x9000];
	v26 =	vadd.s32 v4, v21;
	v6 =	vand.u32 $0xFFFFFF80, v24;
	v25 =	vand.u32 $0x7F, v22  }
0x15e: {  	s28 =	simm.s32 $0x20;
	v12 =	vld.idx.msk [tilespmem:v19+s18+$0x0], $0xffff;
	v9 =	vmul.f32 v9, v16;
	v19 =	vadd.s32 v6, v4;
	v26 =	vor.u32 v25, v26  }
0x15f: {  	v35 =	vld [tilespmem:s28+$0x8400];
	v30 =	vadd.s32 v6, v28;
	v8 =	vmul.f32 v8, v18;
	v10 =	vmul.f32 v10, v3  }
0x160: {  	v59 =	vld [tilespmem:s28+$0x8000];
	v19 =	vor.u32 v17, v19;
	v30 =	vor.u32 v17, v30;
	v3 =	vmul.f32 v7, v3  }
0x161: {  	v61 =	vld [tilespmem:s28+$0x9800];
	v32 =	vmul.f32 v5, v16;
	v5 =	vadd.s32 v21, v28;
	v28 =	vadd.f32 v10, v11  }
0x162: {  	v13 =	vld.idx.msk [tilespmem:v13+s18+$0x0], $0xffff;
	v10 =	vsub.s32 v22, v24;
	v11 =	vsub.s32 v20, v23;
	v22 =	vadd.s32 v27, v21  }
0x163: {  	v16 =	vld [tilespmem:s26+$0x9400];
	v23 =	vadd.s32 v15, v6;
	v24 =	vadd.s32 v6, v27;
	v27 =	vadd.s32 $0x2000, v27  }
0x164: {  	v5 =	vor.u32 v25, v5;
	v20 =	vcvt.s32.f32 v10;
	v10 =	vcvt.s32.f32 v11;
	v11 =	vld.idx.msk [tilespmem:v26+s18+$0x0], $0xffff  }
0x165: {  	v15 =	vadd.s32 $0x2000, v15;
	v22 =	vor.u32 v25, v22;
	v24 =	vor.u32 v17, v24;
	v19 =	vld.idx.msk [tilespmem:v19+s18+$0x0], $0xffff  }
0x166: {  	v4 =	vld [tilespmem:s26+$0x9C00];
	v36 =	vadd.s32 v21, v27;
	v27 =	vadd.s32 v6, v27;
	v33 =	vmul.f32 v20, v10  }
0x167: {  	v6 =	vadd.s32 v6, v15;
	v15 =	vadd.s32 v15, v21;
	v30 =	vld.idx.msk [tilespmem:v30+s18+$0x0], $0xffff;
	v20 =	vmul.f32 v20, v29  }
0x168: {  	v21 =	vor.u32 v17, v27;
	v29 =	vld [tilespmem:s28+$0x8C00];
	v31 =	vmul.f32 v33, v31;
	v10 =	vmul.f32 v10, v16  }
0x169: {  	v60 =	vand.u32 $0xFFFFFF80, v35;
	v8 =	vadd.f32 v3, v8;
	v16 =	vor.u32 v17, v23;
	v5 =	vld.idx.msk [tilespmem:v5+s18+$0x0], $0xffff  }
0x16a: {  	v26 =	vld [tilespmem:s28+$0x8800];
	v36 =	vor.u32 v25, v36;
	v19 =	vmul.f32 v19, v31;
	v58 =	vmul.f32 v11, v10  }
0x16b: {  	v23 =	vor.u32 v25, v34;
	v17 =	vor.u32 v17, v6;
	v6 =	vmul.f32 v13, v2;
	v24 =	vld.idx.msk [tilespmem:v24+s18+$0x0], $0xffff  }
0x16c: {  	v13 =	vshll.u32 v59, $0x7;
	v11 =	vld.idx.msk [tilespmem:v22+s18+$0x0], $0xffff;
	v22 =	vmul.f32 v30, v20;
	v19 =	vadd.f32 v58, v19  }
0x16d: {  	v15 =	vor.u32 v25, v15;
	v42 =	vadd.s32 $0x2000, v13;
	v3 =	vld.idx.msk [tilespmem:v21+s18+$0x0], $0xffff;
	v37 =	vand.u32 $0xFFFFFF80, v29  }
0x16e: {  	v25 =	vld.idx.msk [tilespmem:v16+s18+$0x0], $0xffff;
	v16 =	vadd.f32 v22, v19;
	v18 =	vmul.f32 v5, v4;
	v5 =	vadd.f32 v9, v28  }
0x16f: {  	v62 =	vld [tilespmem:s28+$0x9400];
	v9 =	vmul.f32 v12, v2;
	v2 =	vadd.s32 $0x4000, v13;
	v28 =	vshll.u32 v26, $0x7  }
0x170: {  	v19 =	vld.idx.msk [tilespmem:v23+s18+$0x0], $0xffff;
	v22 =	vmul.f32 v24, v20;
	v26 =	vsub.s32 v26, v59;
	v21 =	vadd.s32 v60, v2  }
0x171: {  	v12 =	vld.idx.msk [tilespmem:v17+s18+$0x0], $0xffff;
	v23 =	vadd.s32 $0x4000, v28;
	v27 =	vadd.f32 v18, v16;
	v16 =	vand.u32 $0x7F, v35  }
0x172: {  	v17 =	vld.idx.msk [tilespmem:v15+s18+$0x0], $0xffff;
	v18 =	vand.u32 $0x7F, v29;
	v15 =	vor.u32 v16, v21;
	v21 =	vadd.s32 v2, v37  }
0x173: {  	v7 =	vld.idx.msk [tilespmem:v36+s18+$0x0], $0xffff;
	v3 =	vmul.f32 v3, v20;
	v30 =	vadd.s32 v60, v23;
	v21 =	vor.u32 v18, v21  }
0x174: {  	v24 =	vld [tilespmem:s28+$0x9000];
	v20 =	vadd.f32 v32, v8;
	v8 =	vadd.s32 v37, v23;
	v30 =	vor.u32 v16, v30  }
0x175: {  	s8 =	simm.s32 $0x30;
	v23 =	vsub.s32 v29, v35;
	v29 =	vcvt.s32.f32 v26;
	v2 =	vld [tilespmem:s28+$0x9C00];
	v63 =	vor.u32 v18, v8  }
0x176: {  	v36 =	vadd.s32 v60, v42;
	v35 =	vcvt.s32.f32 v23;
	v23 =	vmul.f32 v12, v31;
	v12 =	vld [tilespmem:s8+$0x8800]  }
0x177: {  	v8 =	vadd.s32 v28, v37;
	v25 =	vmul.f32 v25, v31;
	v19 =	vmul.f32 v19, v10;
	v15 =	vld.idx.msk [tilespmem:v15+s18+$0x0], $0xffff  }
0x178: {  	v40 =	vadd.s32 v13, v37;
	v39 =	vadd.s32 $0x2000, v28;
	v41 =	vor.u32 v18, v8;
	v38 =	vld.idx.msk [tilespmem:v21+s18+$0x0], $0xffff  }
0x179: {  	s29 =	simm.s32 $0x0;
	v31 =	vadd.s32 v60, v28;
	v25 =	vadd.f32 v19, v25;
	v19 =	vmul.f32 v35, v29;
	v26 =	vld.idx.msk [tilespmem:v30+s18+$0x0], $0xffff  }
0x17a: {  	s3 =	sand.u32 $0x30, s29;
	s0 =	sand.u32 $0x780, s29;
	v32 =	vor.u32 v18, v40;
	v28 =	vor.u32 v16, v31;
	v30 =	vld.idx.msk [tilespmem:v63+s18+$0x0], $0xffff;
	v21 =	vadd.s32 v13, v60  }
0x17b: {  	s2 =	simm.s32 $0x20;
	s6 =	simm.s32 $0x10;
	s4 =	sor.u32 s3, s0;
	v8 =	vmul.f32 v19, v24;
	v19 =	vld [tilespmem:s8+$0x8400];
	v13 =	vmul.f32 v29, v62;
	v29 =	vor.u32 v16, v21  }
0x17c: {  	s30 =	sand.u32 $0x30, s6;
	s31 =	sand.u32 $0x780, s2;
	[tilespmem:s4+$0xC800] =	vst v14;
	v14 =	vmul.f32 v35, v61;
	v31 =	vadd.s32 v37, v39;
	v39 =	vadd.s32 v60, v39;
	v24 =	vld [tilespmem:s8+$0x8000]  }
0x17d: {  	s7 =	sor.u32 s30, s31;
	v31 =	vor.u32 v18, v31;
	v21 =	vld [tilespmem:s8+$0x8C00];
	v33 =	vmul.f32 v15, v8;
	v34 =	vmul.f32 v38, v13  }
0x17e: {  	s0 =	simm.s32 $0x100;
	[tilespmem:s7+$0xC800] =	vst v27;
	v35 =	vadd.s32 v42, v37;
	v27 =	vor.u32 v16, v39;
	v15 =	vld.idx.msk [tilespmem:v41+s18+$0x0], $0xffff  }
.LBB2_6:
0x17f: {  	p0 =	sne.s32 s0, $0xFC0;
	v36 =	vor.u32 v16, v36;
	v28 =	vld.idx.msk [tilespmem:v28+s18+$0x0], $0xffff;
	v16 =	vadd.f32 v34, v33;
	v26 =	vmul.f32 v26, v14  }
0x180: {  	v33 =	vor.u32 v18, v35;
	v18 =	vadd.f32 v22, v25;
	v10 =	vmul.f32 v17, v10;
	v29 =	vld.idx.msk [tilespmem:v29+s18+$0x0], $0xffff  }
0x181: {  	v25 =	vmul.f32 v7, v4;
	v17 =	vmul.f32 v30, v2;
	v22 =	vld.idx.msk [tilespmem:v32+s18+$0x0], $0xffff;
	v16 =	vadd.f32 v26, v16  }
0x182: {  	v34 =	vmul.f32 v11, v4;
	s2 =	sadd.s32 $0x20, s2;
	s6 =	sadd.s32 $0x10, s6;
	v23 =	vadd.f32 v10, v23;
	v32 =	vadd.f32 v9, v20;
	v7 =	vld.idx.msk [tilespmem:v31+s18+$0x0], $0xffff  }
0x183: {  	v11 =	vadd.f32 v6, v5;
	s3 =	sand.u32 $0x30, s6;
	s5 =	sand.u32 $0x780, s2;
	v5 =	vmovc v18;
	v30 =	vshll.u32 v24, $0x7;
	v26 =	vld.idx.msk [tilespmem:v27+s18+$0x0], $0xffff;
	v37 =	vadd.f32 v17, v16  }
0x184: {  	s3 =	sor.u32 s3, s5;
	v9 =	vmovc v25;
	v6 =	vmovc v34;
	v27 =	vand.u32 $0xFFFFFF80, v19;
	v16 =	vand.u32 $0x7F, v19;
	v20 =	vadd.s32 $0x4000, v30;
	v31 =	vld.idx.msk [tilespmem:v36+s18+$0x0], $0xffff;
	[tilespmem:s4+$0xC000] =	vst v32  }
0x185: {  	v4 =	vmovc v2;
	v35 =	vand.u32 $0xFFFFFF80, v21;
	v18 =	vand.u32 $0x7F, v21;
	v25 =	vadd.s32 v27, v20;
	v17 =	vld.idx.msk [tilespmem:v33+s18+$0x0], $0xffff;
	[tilespmem:s3+$0xC800] =	vst v37  }
0x186: {  	v10 =	vmovc v13;
	v20 =	vadd.s32 v20, v35;
	v32 =	vor.u32 v16, v25;
	v33 =	vshll.u32 v12, $0x7;
	[tilespmem:s4+$0xB800] =	vst v11;
	s4 =	smov.u32 s7;
	s7 =	smov.u32 s3  }
0x187: {  	v13 =	vor.u32 v18, v20;
	v29 =	vmul.f32 v29, v8;
	v25 =	vadd.s32 $0x4000, v33;
	v11 =	vmovc v15;
	v2 =	vld [tilespmem:s8+$0x9C00]  }
0x188: {  	v34 =	vmul.f32 v22, v10;
	v22 =	vmul.f32 v28, v14;
	v20 =	vadd.s32 v27, v25;
	v15 =	vld [tilespmem:s8+$0x9800]  }
0x189: {  	v28 =	vor.u32 v16, v20;
	v20 =	vadd.f32 v3, v23;
	v3 =	vmul.f32 v26, v14;
	v36 =	vld [tilespmem:s8+$0x9000]  }
0x18a: {  	v26 =	vadd.s32 v35, v25;
	v25 =	vadd.f32 v34, v29;
	v23 =	vmul.f32 v31, v8;
	v14 =	vld [tilespmem:s8+$0x9400]  }
0x18b: {  	v12 =	vsub.s32 v12, v24;
	v8 =	vsub.s32 v21, v19;
	v21 =	vor.u32 v18, v26;
	v34 =	vld.idx.msk [tilespmem:v32+s18+$0x0], $0xffff  }
0x18c: {  	v29 =	vcvt.s32.f32 v12;
	s8 =	sshra.s32 s0, $0x2;
	v24 =	vcvt.s32.f32 v8;
	v8 =	vadd.s32 v33, v35;
	v37 =	vld.idx.msk [tilespmem:v13+s18+$0x0], $0xffff  }
0x18d: {  	v31 =	vadd.s32 v30, v27;
	v13 =	vadd.s32 v27, v33;
	v33 =	vadd.s32 $0x2000, v33;
	v12 =	vld [tilespmem:s8+$0x8800]  }
0x18e: {  	v38 =	vadd.s32 v30, v35;
	v39 =	vor.u32 v18, v8;
	v32 =	vmul.f32 v24, v29;
	v26 =	vld.idx.msk [tilespmem:v28+s18+$0x0], $0xffff  }
.Ltmp2:
0x18f: {  	v40 =	vadd.s32 $0x2000, v30;
	v41 =	vadd.s32 v35, v33;
	v28 =	vor.u32 v16, v13;
	v19 =	vld [tilespmem:s8+$0x8400];
	(pc) =	sbr.rel @p0 .LBB2_6-.Ltmp2, $4  }
0x190: {  	v8 =	vmul.f32 v32, v36;
	v13 =	vmul.f32 v29, v14;
	v29 =	vor.u32 v16, v31;
	v30 =	vld.idx.msk [tilespmem:v21+s18+$0x0], $0xffff  }
0x191: {  	v32 =	vor.u32 v18, v38;
	v14 =	vmul.f32 v24, v15;
	v15 =	vadd.s32 v27, v33;
	v21 =	vld [tilespmem:s8+$0x8C00]  }
0x192: {  	v31 =	vor.u32 v18, v41;
	v33 =	vmul.f32 v34, v8;
	v34 =	vmul.f32 v37, v13;
	v24 =	vld [tilespmem:s8+$0x8000]  }
0x193: {  	s0 =	sadd.s32 $0x40, s0;
	v35 =	vadd.s32 v40, v35;
	v36 =	vadd.s32 v27, v40;
	v27 =	vor.u32 v16, v15;
	v15 =	vld.idx.msk [tilespmem:v39+s18+$0x0], $0xffff  }
0x194: {  	_ = 	snop  }
0x195: {  	v33 =	vadd.f32 v34, v33;
	v26 =	vmul.f32 v26, v14  }
0x196: {  	v16 =	vor.u32 v16, v36;
	v18 =	vor.u32 v18, v35;
	v10 =	vmul.f32 v17, v10  }
0x197: {  	v22 =	vadd.f32 v22, v25;
	v7 =	vmul.f32 v7, v4;
	v4 =	vmul.f32 v11, v4  }
0x198: {  	v9 =	vadd.f32 v9, v20;
	v45 =	vand.u32 $0x7F, v19;
	v31 =	vld.idx.msk [tilespmem:v31+s18+$0x0], $0xffff;
	v52 =	vshll.u32 v12, $0x7  }
0x199: {  	v49 =	vld [tilespmem:s8+$0x9000];
	v5 =	vadd.f32 v6, v5;
	v42 =	vmul.f32 v30, v2;
	v55 =	vadd.s32 $0x4000, v52  }
0x19a: {  	v53 =	vld [tilespmem:s8+$0x9400];
	v62 =	vadd.s32 $0x2000, v52;
	v41 =	vadd.f32 v26, v33;
	v10 =	vadd.f32 v10, v23  }
0x19b: {  	v27 =	vld.idx.msk [tilespmem:v27+s18+$0x0], $0xffff;
	v23 =	vand.u32 $0xFFFFFF80, v19;
	v47 =	vand.u32 $0xFFFFFF80, v21;
	v48 =	vand.u32 $0x7F, v21  }
0x19c: {  	v56 =	vld [tilespmem:s8+$0x9800];
	v50 =	vsub.s32 v21, v19;
	v43 =	vshll.u32 v24, $0x7;
	v37 =	vadd.s32 v23, v55  }
0x19d: {  	v30 =	vld.idx.msk [tilespmem:v32+s18+$0x0], $0xffff;
	v51 =	vsub.s32 v12, v24;
	v58 =	vor.u32 v45, v37;
	v59 =	vadd.s32 v43, v23  }
0x19e: {  	v26 =	vld.idx.msk [tilespmem:v28+s18+$0x0], $0xffff;
	v44 =	vadd.s32 $0x4000, v43;
	v11 =	vadd.s32 v43, v47;
	v60 =	vor.u32 v45, v59  }
0x19f: {  	v28 =	vld.idx.msk [tilespmem:v29+s18+$0x0], $0xffff;
	v19 =	vcvt.s32.f32 v50;
	v46 =	vadd.s32 v23, v44;
	v11 =	vor.u32 v48, v11  }
0x1a0: {  	v39 =	vadd.s32 $0x2000, v43;
	v29 =	vadd.s32 v44, v47;
	v57 =	vld.idx.msk [tilespmem:v16+s18+$0x0], $0xffff;
	v32 =	vor.u32 v45, v46  }
0x1a1: {  	v12 =	vadd.s32 v52, v47;
	v18 =	vld.idx.msk [tilespmem:v18+s18+$0x0], $0xffff;
	v61 =	vadd.s32 v23, v39;
	v54 =	vor.u32 v48, v29  }
0x1a2: {  	v21 =	vcvt.s32.f32 v51;
	v29 =	vadd.s32 v47, v55;
	v37 =	vor.u32 v45, v61;
	v16 =	vld.idx.msk [tilespmem:v58+s18+$0x0], $0xffff  }
0x1a3: {  	v17 =	vadd.f32 v42, v41;
	v39 =	vadd.s32 v39, v47;
	v29 =	vor.u32 v48, v29;
	v24 =	vld.idx.msk [tilespmem:v60+s18+$0x0], $0xffff  }
0x1a4: {  	v43 =	vadd.s32 v23, v52;
	v23 =	vadd.s32 v23, v62;
	v42 =	vor.u32 v48, v39;
	v11 =	vld.idx.msk [tilespmem:v11+s18+$0x0], $0xffff  }
0x1a5: {  	v4 =	vadd.f32 v4, v22;
	v12 =	vor.u32 v48, v12;
	v20 =	vor.u32 v45, v23;
	v32 =	vld.idx.msk [tilespmem:v32+s18+$0x0], $0xffff  }
0x1a6: {  	v38 =	vmul.f32 v19, v21;
	v21 =	vmul.f32 v21, v53;
	v39 =	vor.u32 v45, v43;
	v25 =	vld.idx.msk [tilespmem:v54+s18+$0x0], $0xffff  }
0x1a7: {  	v45 =	vadd.s32 v47, v62;
	v30 =	vmul.f32 v30, v13;
	v28 =	vmul.f32 v28, v8;
	v46 =	vld.idx.msk [tilespmem:v37+s18+$0x0], $0xffff  }
0x1a8: {  	v19 =	vmul.f32 v19, v56;
	v47 =	vmul.f32 v27, v14;
	v44 =	vld.idx.msk [tilespmem:v29+s18+$0x0], $0xffff;
	v29 =	vor.u32 v48, v45  }
0x1a9: {  	v26 =	vmul.f32 v26, v14;
	v35 =	vmul.f32 v38, v49;
	v28 =	vadd.f32 v30, v28;
	v48 =	vld.idx.msk [tilespmem:v42+s18+$0x0], $0xffff  }
0x1aa: {  	v3 =	vadd.f32 v3, v10;
	v6 =	vmul.f32 v57, v8;
	v49 =	vmul.f32 v18, v13;
	v50 =	vld.idx.msk [tilespmem:v20+s18+$0x0], $0xffff  }
0x1ab: {  	v51 =	vld.idx.msk [tilespmem:v39+s18+$0x0], $0xffff;
	v52 =	vadd.f32 v26, v28;
	v54 =	vmul.f32 v31, v2;
	v2 =	vmul.f32 v15, v2  }
0x1ac: {  	v63 =	vld [tilespmem:s8+$0x9C00];
	[tilespmem:s4+$0xC000] =	vst v9;
	v3 =	vadd.f32 v7, v3;
	v6 =	vadd.f32 v49, v6;
	v16 =	vmul.f32 v16, v19  }
0x1ad: {  	v2 =	vadd.f32 v2, v52;
	v32 =	vmul.f32 v32, v35;
	v25 =	vmul.f32 v25, v21;
	v55 =	vld.idx.msk [tilespmem:v29+s18+$0x0], $0xffff  }
0x1ae: {  	v56 =	vld.idx.msk [tilespmem:v12+s18+$0x0], $0xffff;
	v6 =	vadd.f32 v47, v6;
	v57 =	vmul.f32 v46, v35;
	v58 =	vmul.f32 v48, v21  }
0x1af: {  	s0 =	sadd.s32 $0x20, s2;
	s14 =	sadd.s32 $0x10, s6;
	[tilespmem:s4+$0xB800] =	vst v5;
	v59 =	vmul.f32 v24, v35;
	v11 =	vmul.f32 v11, v21;
	v25 =	vadd.f32 v25, v32  }
0x1b0: {  	s3 =	sand.u32 $0x30, s14;
	s15 =	sand.u32 $0x780, s0;
	[tilespmem:s7+$0xC000] =	vst v3;
	v3 =	vmul.f32 v50, v19;
	v60 =	vmul.f32 v51, v19;
	v8 =	vadd.f32 v58, v57  }
0x1b1: {  	s3 =	sor.u32 s3, s15;
	[tilespmem:s7+$0xB800] =	vst v4;
	v53 =	vmul.f32 v44, v63;
	v5 =	vadd.f32 v11, v59;
	v16 =	vadd.f32 v16, v25  }
0x1b2: {  	s0 =	sadd.s32 $0x20, s0;
	s2 =	sadd.s32 $0x10, s14;
	[tilespmem:s3+$0xC800] =	vst v17;
	v6 =	vadd.f32 v54, v6;
	v3 =	vadd.f32 v3, v8;
	v61 =	vmul.f32 v55, v63  }
0x1b3: {  	s2 =	sand.u32 $0x30, s2;
	s0 =	sand.u32 $0x780, s0;
	[tilespmem:s3+$0xB800] =	vst v2;
	v4 =	vadd.f32 v60, v5;
	v62 =	vadd.f32 v53, v16;
	v63 =	vmul.f32 v56, v63  }
0x1b4: {  	s0 =	sor.u32 s2, s0;
	[tilespmem:s3+$0xC000] =	vst v6;
	v2 =	vadd.f32 v61, v3  }
0x1b5: {  	[tilespmem:s0+$0xC800] =	vst v62;
	v3 =	vadd.f32 v63, v4  }
0x1b6: {  	[tilespmem:s0+$0xC000] =	vst v2  }
0x1b7: {  	[tilespmem:s0+$0xB800] =	vst v3  }
0x1b8: {  	s16 =	simm.s32 $0xA000;
	s14 =	simm.s32 $0x0;
	s0 =	rddreg [dreg:$0xb]  }
0x1b9: {  	[hbm4b:s0+s14] =	stream.linear.scatter [tilespmem:s16], [sflag:$0x1], $0x800, $0x38;
	[tilespmem:$0xD000] =	vst v63  }
0x1ba: {  	s19 =	simm.s32 $0xA800;
	s17 =	rddreg [dreg:$0xc]  }
0x1bb: {  	[hbm4b:s17+s14] =	stream.linear.scatter [tilespmem:s19], [sflag:$0x2], $0x800, $0x38;
	[tilespmem:$0xD000] =	vst v63  }
0x1bc: {  	s21 =	simm.s32 $0xB000;
	s20 =	rddreg [dreg:$0xd]  }
0x1bd: {  	[hbm4b:s20+s14] =	stream.linear.scatter [tilespmem:s21], [sflag:$0x3], $0x800, $0x38;
	[tilespmem:$0xD000] =	vst v63  }
0x1be: {  	s23 =	simm.s32 $0xB800;
	s22 =	rddreg [dreg:$0xe]  }
0x1bf: {  	[hbm4b:s22+s14] =	stream.linear.scatter [tilespmem:s23], [sflag:$0x4], $0x800, $0x38;
	[tilespmem:$0xD000] =	vst v63  }
0x1c0: {  	s26 =	simm.s32 $0xC000;
	s24 =	rddreg [dreg:$0xf]  }
0x1c1: {  	[hbm4b:s24+s14] =	stream.linear.scatter [tilespmem:s26], [sflag:$0x1], $0x800, $0x38;
	[tilespmem:$0xD000] =	vst v63  }
0x1c2: {  	s29 =	simm.s32 $0xC800;
	s28 =	rddreg [dreg:$0x10]  }
0x1c3: {  	[hbm4b:s28+s14] =	stream.linear.scatter [tilespmem:s29], [sflag:$0x2], $0x800, $0x38;
	[tilespmem:$0xD000] =	vst v63  }
0x1c4: {  	_ =	swait.ge [sflag:s9], $0x800  }
0x1c5: {  	[sflag:s9] =	ssyncset.done $0x0  }
0x1c6: {  	[sflag:s9] =	ssyncadd.s32 $0xFFFFF800  }
0x1c7: {  	_ =	swait.ge [sflag:s10], $0x800  }
0x1c8: {  	[sflag:s10] =	ssyncset.done $0x0  }
0x1c9: {  	[sflag:s10] =	ssyncadd.s32 $0xFFFFF800  }
0x1ca: {  	_ =	swait.ge [sflag:s11], $0x800  }
0x1cb: {  	[sflag:s11] =	ssyncset.done $0x0  }
0x1cc: {  	[sflag:s11] =	ssyncadd.s32 $0xFFFFF800  }
0x1cd: {  	_ =	swait.ge [sflag:s12], $0x800  }
0x1ce: {  	[sflag:s12] =	ssyncset.done $0x0  }
0x1cf: {  	[sflag:s12] =	ssyncadd.s32 $0xFFFFF800  }
0x1d0: {  	_ =	swait.ge [sflag:s9], $0x800  }
0x1d1: {  	[sflag:s9] =	ssyncset.done $0x0  }
0x1d2: {  	[sflag:s9] =	ssyncadd.s32 $0xFFFFF800  }
0x1d3: {  	_ =	swait.ge [sflag:s10], $0x800  }
0x1d4: {  	s30 =	rddreg [dreg:$0x13]  }
0x1d5: {  	s31 =	rddreg [dreg:$0x11];
	s2 =	sadd.s32 $0x1, s30  }
0x1d6: {  	p0 =	sne.s32 s2, s31  }
.Ltmp3:
0x1d7: {  	_ = 	snop;
	(pc) =	sbr.rel @p0 .LBB2_1-.Ltmp3, $3  }
0x1d8: {  	_ =	sdelay $0x1  }
0x1d9: {  	[sflag:s10] =	ssyncset.done $0x0  }
0x1da: {  	[sflag:s10] =	ssyncadd.s32 $0xFFFFF800  }
0x1db: {  	_ =	sfence.sel $0x180000  }
0x1dc: {  	[bflag:$0x0] =	sbarrier.arrive $0xFFFF  }
0x1dd: {  	_ =	strace $0x90000047  }
0x1de: {  	s0 =	stileid.u32;
	[bflag:$0x2] =	sbarrier.arrive $0xFFFF  }
0x1df: {  	p0 =	sne.s32 s0, $0x0;
	s0 =	rddreg [dreg:$0x5]  }
0x1e0: {  	s0 =	sadd.s32 @!p0 $0x100000, s0  }
0x1e1: {  	[sflag:s0] =	ssyncadd.tile.s32 @!p0 $0x1;
	_ =	shalt  }
.Lfunc_end2:
_tile_overlayer_lowered:
.L_overlay_start_2:
0x1e2: {  	(tag) =	ssettag $0x2  }
0x1e3: {  	s0 =	rddreg [dreg:$0x0];
	s2 =	stileid.u32  }
0x1e4: {  	s1 =	rddreg [dreg:$0x1];
	p0 =	sne.s32 s2, $0x0  }
0x1e5: {  	s3 =	rddreg [dreg:$0x2];
	[bflag:$0x3] =	sbarrier.arrive $0xFFFF;
	s2 =	simm.s32 @!p0 $0x1C05  }
0x1e6: {  	[timem:s3], [sflag:s2] =	dma.local @!p0 [hbm:s0], s1  }
0x1e7: {  	s0 =	simm.s32 @!p0 $0x5  }
0x1e8: {  	_ =	swait.ge @!p0 [sflag:s0], s1  }
0x1e9: {  	s1 =	ssub.s32 @!p0 $0x0, s1;
	[sflag:s0] =	ssyncset.done @!p0 $0x0  }
0x1ea: {  	[sflag:s0] =	ssyncadd.s32 @!p0 s1  }
0x1eb: {  	[bflag:$0x3] =	sbarrier.arrive $0xFFFF  }
0x1ec: {  	_ =	shalt  }

</sc_bundles>
